<compile_context>
chip_gen: v7x
topology: tpu7x:2x2x1
jax: 0.10.2.dev20260603
libtpu: 0.0.44.dev20260713+nightly
codegen_flags: <defaults>
</compile_context>

<pallas_src>
import jax
import jax.numpy as jnp
from jax.experimental import pallas as pl
from jax.experimental.pallas import tpu as pltpu
from jax.experimental.pallas import tpu_sc as plsc

_W = 32
_PAD = 128
_NTILES = 32


def kernel(indices, weight):
    B, L = indices.shape
    V, D = weight.shape
    N = B * L
    NP = N // 2

    pair_table = jnp.concatenate(
        [jnp.broadcast_to(weight[:, None, :], (V, V, D)),
         jnp.broadcast_to(weight[None, :, :], (V, V, D))],
        axis=-1).reshape(V * V, 2 * D)

    flat = indices.reshape(NP, 2)
    pair_idx = flat[:, 0] * V + flat[:, 1]
    idx_pad = jnp.pad(pair_idx.reshape(NP // _W, _W),
                      ((0, 0), (0, _PAD - _W)))

    n_win = NP // _W
    wpt = n_win // _NTILES

    mesh = plsc.VectorSubcoreMesh(core_axis_name="core",
                                  subcore_axis_name="subcore")

    @pl.kernel(out_type=jax.ShapeDtypeStruct((NP, 2 * D), weight.dtype),
               mesh=mesh)
    def sc_gather(w_hbm, i_hbm, o_hbm):
        def body(i_vmem, o_vmem):
            pltpu.sync_copy(w_hbm.at[i_vmem.at[0, pl.ds(0, _W)]], o_vmem)

        pltpu.emit_pipeline(
            body,
            grid=(_NTILES, wpt),
            in_specs=[pl.BlockSpec((1, _PAD),
                                   index_map=lambda c, i: (c * wpt + i, 0))],
            out_specs=[pl.BlockSpec((_W, 2 * D),
                                    index_map=lambda c, i: (c * wpt + i, 0))],
            core_axis_name=("core", "subcore"),
            dimension_semantics=(pltpu.PARALLEL, pltpu.ARBITRARY),
        )(i_hbm, o_hbm)

    out = sc_gather(pair_table, idx_pad)
    return out.reshape(B, L, D)

# --- scband reference (transcript-rebuilt; emitter-appended) ---
"""Pipeline reference for scband-atom-mapping-embedding-32719060861119 (READ-ONLY COPY).

The authoritative reference and input builder live on the scoring server;
editing this copy changes nothing except your own understanding.
"""

import jax, jax.numpy as jnp
import numpy as np

def setup_inputs(seed: int = 0) -> dict:
    key = jax.random.key(seed)
    k1, k2 = jax.random.split(key)
    indices = jax.random.randint(k1, (16384, 200), 0, 100)
    weight = jax.random.normal(k2, (100, 512), dtype=jnp.float32)
    # nn.Embedding zeros the padding_idx row at init
    weight = weight.at[0].set(0.0)
    return {"indices": indices, "weight": weight}

def reference(indices, weight):
    # AtomMappingEmbedding.forward == nn.Embedding.forward: gather rows
    return jnp.take(weight, indices, axis=0)

if __name__ == "__main__":
    import jax
    _d = setup_inputs()
    print(jax.jit(kernel)(*tuple(_d.values())))

</pallas_src>

<mosaic_0001>
#map = affine_map<(d0, d1) -> (0, 0)>
module attributes {stable_mosaic.version = 14 : i64} {
  func.func @sc_gather(%arg0: i32, %arg1: i32, %arg2: memref<10000x1024xf32, #tpu.memory_space<hbm>>, %arg3: memref<51200x128xi32, #tpu.memory_space<hbm>>, %arg4: memref<1638400x1024xf32, #tpu.memory_space<hbm>>) attributes {dimension_semantics = [#tpu.dimension_semantics<core_parallel>, #tpu.dimension_semantics<subcore_parallel>], iteration_bounds = array<i64: 2, 16>, scalar_prefetch = 0 : i64, scratch_operands = 0 : i64, tpu.core_type = #tpu.core_type<sc_vector_subcore>, window_params = [{transform_indices = #map}, {transform_indices = #map}, {transform_indices = #map}]} {
    %mul3A = arith.constant 1 : i32
    %mul3A_0 = arith.muli %arg1, %mul3A : i32
    %add3A = arith.constant 0 : i32
    %add3A_1 = arith.addi %add3A, %mul3A_0 : i32
    %mul3A_2 = arith.constant 16 : i32
    %mul3A_3 = arith.muli %arg0, %mul3A_2 : i32
    %add3A_4 = arith.addi %add3A_1, %mul3A_3 : i32
    %mul3A_5 = arith.constant 1 : i32
    %mul3A_6 = arith.muli %add3A_4, %mul3A_5 : i32
    "tpu.region"() ({
      %run_scoped3A = memref.alloca() : memref<2x1x128xi32, #tpu.memory_space<vmem>>
      %run_scoped3A_7 = tpu.sem_alloc : memref<2x!tpu.dma_semaphore, #tpu.memory_space<semaphore_mem>>
      %run_scoped3A_8 = memref.alloca() : memref<2x32x1024xf32, #tpu.memory_space<vmem>>
      %run_scoped3A_9 = tpu.sem_alloc : memref<2x!tpu.dma_semaphore, #tpu.memory_space<semaphore_mem>>
      %add3A_10 = arith.constant 0 : i32
      %add3A_11 = arith.addi %add3A_10, %mul3A_6 : i32
      %select_n3A = arith.constant true
      %select_n3A_12 = arith.constant 0 : i32
      %select_n3A_13 = arith.constant -1 : i32
      %select_n3A_14 = arith.select %select_n3A, %select_n3A_13, %select_n3A_12 : i32
      %eq3A = arith.constant -1 : i32
      %eq3A_15 = arith.cmpi eq, %select_n3A_14, %eq3A : i32
      %select_n3A_16 = arith.constant 1599 : i32
      %select_n3A_17 = arith.select %eq3A_15, %select_n3A_16, %select_n3A_14 : i32
      %select_n3A_18 = arith.constant 0 : i32
      %select_n3A_19 = arith.constant -1 : i32
      %select_n3A_20 = arith.select %eq3A_15, %select_n3A_19, %select_n3A_18 : i32
      %eq3A_21 = arith.constant -1 : i32
      %eq3A_22 = arith.cmpi eq, %select_n3A_20, %eq3A_21 : i32
      %select_n3A_23 = arith.constant 0 : i32
      %select_n3A_24 = arith.select %eq3A_22, %select_n3A_23, %select_n3A_20 : i32
      %add3A_25 = arith.constant 0 : i32
      %add3A_26 = arith.addi %add3A_25, %mul3A_6 : i32
      %add3A_27 = arith.constant 0 : i32
      %add3A_28 = arith.addi %select_n3A_17, %add3A_27 : i32
      %select_n3A_29 = arith.constant true
      %select_n3A_30 = arith.constant 0 : i32
      %select_n3A_31 = arith.constant 1 : i32
      %select_n3A_32 = arith.select %select_n3A_29, %select_n3A_31, %select_n3A_30 : i32
      %eq3A_33 = arith.constant 1600 : i32
      %eq3A_34 = arith.cmpi eq, %select_n3A_32, %eq3A_33 : i32
      %select_n3A_35 = arith.constant 0 : i32
      %select_n3A_36 = arith.select %eq3A_34, %select_n3A_35, %select_n3A_32 : i32
      %select_n3A_37 = arith.constant 0 : i32
      %select_n3A_38 = arith.constant 1 : i32
      %select_n3A_39 = arith.select %eq3A_34, %select_n3A_38, %select_n3A_37 : i32
      %eq3A_40 = arith.constant 1 : i32
      %eq3A_41 = arith.cmpi eq, %select_n3A_39, %eq3A_40 : i32
      %select_n3A_42 = arith.constant 0 : i32
      %select_n3A_43 = arith.select %eq3A_41, %select_n3A_42, %select_n3A_39 : i32
      %add3A_44 = arith.constant 0 : i32
      %add3A_45 = arith.addi %add3A_44, %mul3A_6 : i32
      %add3A_46 = arith.constant 0 : i32
      %add3A_47 = arith.addi %select_n3A_36, %add3A_46 : i32
      %add3A_48 = arith.constant 1 : i32
      %add3A_49 = arith.addi %select_n3A_36, %add3A_48 : i32
      %select_n3A_50 = arith.constant true
      %select_n3A_51 = arith.select %select_n3A_50, %add3A_49, %select_n3A_36 : i32
      %eq3A_52 = arith.constant 1600 : i32
      %eq3A_53 = arith.cmpi eq, %select_n3A_51, %eq3A_52 : i32
      %select_n3A_54 = arith.constant 0 : i32
      %select_n3A_55 = arith.select %eq3A_53, %select_n3A_54, %select_n3A_51 : i32
      %select_n3A_56 = arith.constant 0 : i32
      %select_n3A_57 = arith.constant 1 : i32
      %select_n3A_58 = arith.select %eq3A_53, %select_n3A_57, %select_n3A_56 : i32
      %eq3A_59 = arith.constant 1 : i32
      %eq3A_60 = arith.cmpi eq, %select_n3A_58, %eq3A_59 : i32
      %select_n3A_61 = arith.constant 0 : i32
      %select_n3A_62 = arith.select %eq3A_60, %select_n3A_61, %select_n3A_58 : i32
      %add3A_63 = arith.constant 0 : i32
      %add3A_64 = arith.addi %add3A_63, %mul3A_6 : i32
      %add3A_65 = arith.constant 0 : i32
      %add3A_66 = arith.addi %select_n3A_55, %add3A_65 : i32
      "tpu.trace_start"() <{level = 10 : i32, message = "ep_initialize_0"}> : () -> ()
      %rem3A = arith.constant 0 : i32
      %rem3A_67 = arith.constant 2 : i32
      %rem3A_68 = arith.remui %rem3A, %rem3A_67 : i32
      %mul3A_69 = arith.constant 1600 : i32
      %mul3A_70 = arith.muli %add3A_11, %mul3A_69 : i32
      %add3A_71 = arith.constant 0 : i32
      %add3A_72 = arith.addi %mul3A_70, %add3A_71 : i32
      %mul3A_73 = arith.constant 1 : i32
      %mul3A_74 = arith.muli %mul3A_73, %add3A_72 : i32
      %dma_start3A = arith.constant 0 : i32
      %dma_start3A_75 = arith.constant 0 : i32
      %dma_start3A_76 = tpu.memref_slice %run_scoped3A[%rem3A_68, %dma_start3A, %dma_start3A_75] : memref<2x1x128xi32, #tpu.memory_space<vmem>> -> memref<1x1x128xi32, #tpu.memory_space<vmem>>
      %dma_start3A_77 = tpu.memref_squeeze %dma_start3A_76 : memref<1x1x128xi32, #tpu.memory_space<vmem>> -> memref<1x128xi32, #tpu.memory_space<vmem>>
      %dma_start3A_78 = arith.constant 0 : i32
      %dma_start3A_79 = tpu.memref_slice %arg3[%mul3A_74, %dma_start3A_78] : memref<51200x128xi32, #tpu.memory_space<hbm>> -> memref<1x128xi32, #tpu.memory_space<hbm>>
      %dma_start3A_80 = tpu.memref_slice %run_scoped3A_7[%rem3A_68] : memref<2x!tpu.dma_semaphore, #tpu.memory_space<semaphore_mem>> -> memref<1x!tpu.dma_semaphore, #tpu.memory_space<semaphore_mem>>
      %dma_start3A_81 = tpu.memref_squeeze %dma_start3A_80 : memref<1x!tpu.dma_semaphore, #tpu.memory_space<semaphore_mem>> -> memref<!tpu.dma_semaphore, #tpu.memory_space<semaphore_mem>>
      %dma_start3A_82 = arith.constant 0 : i32
      %dma_start3A_83 = arith.constant 0 : i32
      %dma_start3A_84 = tpu.memref_slice %run_scoped3A[%rem3A_68, %dma_start3A_82, %dma_start3A_83] : memref<2x1x128xi32, #tpu.memory_space<vmem>> -> memref<1x1x128xi32, #tpu.memory_space<vmem>>
      %dma_start3A_85 = tpu.memref_squeeze %dma_start3A_84 : memref<1x1x128xi32, #tpu.memory_space<vmem>> -> memref<1x128xi32, #tpu.memory_space<vmem>>
      %dma_start3A_86 = arith.constant 0 : i32
      %dma_start3A_87 = tpu.memref_slice %arg3[%mul3A_74, %dma_start3A_86] : memref<51200x128xi32, #tpu.memory_space<hbm>> -> memref<1x128xi32, #tpu.memory_space<hbm>>
      tpu.enqueue_dma source(%dma_start3A_87 : memref<1x128xi32, #tpu.memory_space<hbm>>) target(%dma_start3A_85 : memref<1x128xi32, #tpu.memory_space<vmem>>) target_semaphore(%dma_start3A_81 : memref<!tpu.dma_semaphore, #tpu.memory_space<semaphore_mem>>)
      %add3A_88 = arith.constant 0 : i32
      %add3A_89 = arith.constant 1 : i32
      %add3A_90 = arith.addi %add3A_88, %add3A_89 : i32
      %select_n3A_91 = arith.constant true
      %select_n3A_92 = arith.constant 0 : i32
      %select_n3A_93 = arith.select %select_n3A_91, %add3A_90, %select_n3A_92 : i32
      "tpu.trace_stop"() : () -> ()
      %scan3A = arith.constant 0 : i32
      %scan3A_94 = arith.constant 0 : i32
      %scan3A_95 = arith.constant 0 : i32
      %scan3A_96 = arith.constant 0 : i32
      %scan3A_97 = arith.constant 0 : i32
      %scan3A_98 = arith.constant 0 : i32
      %scan3A_99 = arith.constant 1600 : i32
      %scan3A_100 = arith.addi %scan3A_98, %scan3A_99 : i32
      %scan3A_101 = arith.constant 1 : i32
      %scan3A_102:6 = scf.for %scan3A_199 = %scan3A_98 to %scan3A_100 step %scan3A_101 iter_args(%scan3A_200 = %select_n3A_93, %scan3A_201 = %scan3A, %scan3A_202 = %scan3A_94, %scan3A_203 = %scan3A_95, %scan3A_204 = %scan3A_96, %scan3A_205 = %scan3A_97) -> (i32, i32, i32, i32, i32, i32)  : i32 {
        %eq3A_206 = arith.constant 0 : i32
        %eq3A_207 = arith.cmpi eq, %scan3A_199, %eq3A_206 : i32
        %eq3A_208 = arith.constant 1599 : i32
        %eq3A_209 = arith.cmpi eq, %scan3A_199, %eq3A_208 : i32
        %add3A_210 = arith.constant 0 : i32
        %add3A_211 = arith.addi %add3A_210, %mul3A_6 : i32
        %add3A_212 = arith.constant 0 : i32
        %add3A_213 = arith.addi %scan3A_205, %add3A_212 : i32
        %sub3A_214 = arith.constant 1 : i32
        %sub3A_215 = arith.subi %scan3A_205, %sub3A_214 : i32
        %select_n3A_216 = arith.constant true
        %select_n3A_217 = arith.select %select_n3A_216, %sub3A_215, %scan3A_205 : i32
        %eq3A_218 = arith.constant -1 : i32
        %eq3A_219 = arith.cmpi eq, %select_n3A_217, %eq3A_218 : i32
        %select_n3A_220 = arith.constant 1599 : i32
        %select_n3A_221 = arith.select %eq3A_219, %select_n3A_220, %select_n3A_217 : i32
        %select_n3A_222 = arith.constant 0 : i32
        %select_n3A_223 = arith.constant -1 : i32
        %select_n3A_224 = arith.select %eq3A_219, %select_n3A_223, %select_n3A_222 : i32
        %eq3A_225 = arith.constant -1 : i32
        %eq3A_226 = arith.cmpi eq, %select_n3A_224, %eq3A_225 : i32
        %select_n3A_227 = arith.constant 0 : i32
        %select_n3A_228 = arith.select %eq3A_226, %select_n3A_227, %select_n3A_224 : i32
        %add3A_229 = arith.constant 0 : i32
        %add3A_230 = arith.addi %add3A_229, %mul3A_6 : i32
        %add3A_231 = arith.constant 0 : i32
        %add3A_232 = arith.addi %select_n3A_221, %add3A_231 : i32
        %add3A_233 = arith.constant 1 : i32
        %add3A_234 = arith.addi %scan3A_205, %add3A_233 : i32
        %select_n3A_235 = arith.constant true
        %select_n3A_236 = arith.select %select_n3A_235, %add3A_234, %scan3A_205 : i32
        %eq3A_237 = arith.constant 1600 : i32
        %eq3A_238 = arith.cmpi eq, %select_n3A_236, %eq3A_237 : i32
        %select_n3A_239 = arith.constant 0 : i32
        %select_n3A_240 = arith.select %eq3A_238, %select_n3A_239, %select_n3A_236 : i32
        %select_n3A_241 = arith.constant 0 : i32
        %select_n3A_242 = arith.constant 1 : i32
        %select_n3A_243 = arith.select %eq3A_238, %select_n3A_242, %select_n3A_241 : i32
        %eq3A_244 = arith.constant 1 : i32
        %eq3A_245 = arith.cmpi eq, %select_n3A_243, %eq3A_244 : i32
        %select_n3A_246 = arith.constant 0 : i32
        %select_n3A_247 = arith.select %eq3A_245, %select_n3A_246, %select_n3A_243 : i32
        %add3A_248 = arith.constant 0 : i32
        %add3A_249 = arith.addi %add3A_248, %mul3A_6 : i32
        %add3A_250 = arith.constant 0 : i32
        %add3A_251 = arith.addi %select_n3A_240, %add3A_250 : i32
        %add3A_252 = arith.constant 1 : i32
        %add3A_253 = arith.addi %select_n3A_240, %add3A_252 : i32
        %select_n3A_254 = arith.constant true
        %select_n3A_255 = arith.select %select_n3A_254, %add3A_253, %select_n3A_240 : i32
        %eq3A_256 = arith.constant 1600 : i32
        %eq3A_257 = arith.cmpi eq, %select_n3A_255, %eq3A_256 : i32
        %select_n3A_258 = arith.constant 0 : i32
        %select_n3A_259 = arith.select %eq3A_257, %select_n3A_258, %select_n3A_255 : i32
        %select_n3A_260 = arith.constant 0 : i32
        %select_n3A_261 = arith.constant 1 : i32
        %select_n3A_262 = arith.select %eq3A_257, %select_n3A_261, %select_n3A_260 : i32
        %eq3A_263 = arith.constant 1 : i32
        %eq3A_264 = arith.cmpi eq, %select_n3A_262, %eq3A_263 : i32
        %select_n3A_265 = arith.constant 0 : i32
        %select_n3A_266 = arith.select %eq3A_264, %select_n3A_265, %select_n3A_262 : i32
        %add3A_267 = arith.constant 0 : i32
        %add3A_268 = arith.addi %add3A_267, %mul3A_6 : i32
        %add3A_269 = arith.constant 0 : i32
        %add3A_270 = arith.addi %select_n3A_259, %add3A_269 : i32
        %mul3A_271 = arith.constant 1600 : i32
        %mul3A_272 = arith.muli %add3A_211, %mul3A_271 : i32
        %add3A_273 = arith.addi %mul3A_272, %add3A_213 : i32
        %mul3A_274 = arith.constant 1600 : i32
        %mul3A_275 = arith.muli %add3A_249, %mul3A_274 : i32
        %add3A_276 = arith.addi %mul3A_275, %add3A_251 : i32
        %ne3A = arith.cmpi ne, %add3A_273, %add3A_276 : i32
        %or3A = arith.constant false
        %or3A_277 = arith.ori %or3A, %ne3A : i1
        %or3A_278 = arith.constant false
        %or3A_279 = arith.ori %or3A_277, %or3A_278 : i1
        %ge3A = arith.constant 1599 : i32
        %ge3A_280 = arith.cmpi sge, %scan3A_199, %ge3A : i32
        %not3A = arith.constant true
        %not3A_281 = arith.xori %ge3A_280, %not3A : i1
        %and3A = arith.andi %or3A_279, %not3A_281 : i1
        %convert_element_type3A = arith.extui %and3A : i1 to i32
        %cond3A = arith.constant 0 : i32
        %cond3A_282 = arith.cmpi ne, %convert_element_type3A, %cond3A : i32
        scf.if %cond3A_282 {
          "tpu.trace_start"() <{level = 10 : i32, message = "ep_copy_in"}> : () -> ()
          %rem3A_448 = arith.constant 2 : i32
          %rem3A_449 = arith.remui %scan3A_200, %rem3A_448 : i32
          %mul3A_450 = arith.constant 1600 : i32
          %mul3A_451 = arith.muli %add3A_249, %mul3A_450 : i32
          %add3A_452 = arith.addi %mul3A_451, %add3A_251 : i32
          %mul3A_453 = arith.constant 1 : i32
          %mul3A_454 = arith.muli %mul3A_453, %add3A_452 : i32
          %dma_start3A_455 = arith.constant 0 : i32
          %dma_start3A_456 = arith.constant 0 : i32
          %dma_start3A_457 = tpu.memref_slice %run_scoped3A[%rem3A_449, %dma_start3A_455, %dma_start3A_456] : memref<2x1x128xi32, #tpu.memory_space<vmem>> -> memref<1x1x128xi32, #tpu.memory_space<vmem>>
          %dma_start3A_458 = tpu.memref_squeeze %dma_start3A_457 : memref<1x1x128xi32, #tpu.memory_space<vmem>> -> memref<1x128xi32, #tpu.memory_space<vmem>>
          %dma_start3A_459 = arith.constant 0 : i32
          %dma_start3A_460 = tpu.memref_slice %arg3[%mul3A_454, %dma_start3A_459] : memref<51200x128xi32, #tpu.memory_space<hbm>> -> memref<1x128xi32, #tpu.memory_space<hbm>>
          %dma_start3A_461 = tpu.memref_slice %run_scoped3A_7[%rem3A_449] : memref<2x!tpu.dma_semaphore, #tpu.memory_space<semaphore_mem>> -> memref<1x!tpu.dma_semaphore, #tpu.memory_space<semaphore_mem>>
          %dma_start3A_462 = tpu.memref_squeeze %dma_start3A_461 : memref<1x!tpu.dma_semaphore, #tpu.memory_space<semaphore_mem>> -> memref<!tpu.dma_semaphore, #tpu.memory_space<semaphore_mem>>
          %dma_start3A_463 = arith.constant 0 : i32
          %dma_start3A_464 = arith.constant 0 : i32
          %dma_start3A_465 = tpu.memref_slice %run_scoped3A[%rem3A_449, %dma_start3A_463, %dma_start3A_464] : memref<2x1x128xi32, #tpu.memory_space<vmem>> -> memref<1x1x128xi32, #tpu.memory_space<vmem>>
          %dma_start3A_466 = tpu.memref_squeeze %dma_start3A_465 : memref<1x1x128xi32, #tpu.memory_space<vmem>> -> memref<1x128xi32, #tpu.memory_space<vmem>>
          %dma_start3A_467 = arith.constant 0 : i32
          %dma_start3A_468 = tpu.memref_slice %arg3[%mul3A_454, %dma_start3A_467] : memref<51200x128xi32, #tpu.memory_space<hbm>> -> memref<1x128xi32, #tpu.memory_space<hbm>>
          tpu.enqueue_dma source(%dma_start3A_468 : memref<1x128xi32, #tpu.memory_space<hbm>>) target(%dma_start3A_466 : memref<1x128xi32, #tpu.memory_space<vmem>>) target_semaphore(%dma_start3A_462 : memref<!tpu.dma_semaphore, #tpu.memory_space<semaphore_mem>>)
          "tpu.trace_stop"() : () -> ()
        } else {
        }
        %and3A_283 = arith.constant true
        %and3A_284 = arith.andi %and3A, %and3A_283 : i1
        %add3A_285 = arith.constant 1 : i32
        %add3A_286 = arith.addi %scan3A_200, %add3A_285 : i32
        %select_n3A_287 = arith.select %and3A_284, %add3A_286, %scan3A_200 : i32
        %mul3A_288 = arith.constant 1600 : i32
        %mul3A_289 = arith.muli %add3A_211, %mul3A_288 : i32
        %add3A_290 = arith.addi %mul3A_289, %add3A_213 : i32
        %mul3A_291 = arith.constant 1600 : i32
        %mul3A_292 = arith.muli %add3A_249, %mul3A_291 : i32
        %add3A_293 = arith.addi %mul3A_292, %add3A_251 : i32
        %ne3A_294 = arith.cmpi ne, %add3A_290, %add3A_293 : i32
        %or3A_295 = arith.constant false
        %or3A_296 = arith.ori %or3A_295, %ne3A_294 : i1
        %or3A_297 = arith.constant false
        %or3A_298 = arith.ori %or3A_296, %or3A_297 : i1
        %ge3A_299 = arith.constant 1599 : i32
        %ge3A_300 = arith.cmpi sge, %scan3A_199, %ge3A_299 : i32
        %not3A_301 = arith.constant true
        %not3A_302 = arith.xori %ge3A_300, %not3A_301 : i1
        %and3A_303 = arith.andi %or3A_298, %not3A_302 : i1
        %mul3A_304 = arith.constant 1600 : i32
        %mul3A_305 = arith.muli %add3A_211, %mul3A_304 : i32
        %add3A_306 = arith.addi %mul3A_305, %add3A_213 : i32
        %mul3A_307 = arith.constant 1600 : i32
        %mul3A_308 = arith.muli %add3A_230, %mul3A_307 : i32
        %add3A_309 = arith.addi %mul3A_308, %add3A_232 : i32
        %ne3A_310 = arith.cmpi ne, %add3A_306, %add3A_309 : i32
        %or3A_311 = arith.constant false
        %or3A_312 = arith.ori %or3A_311, %ne3A_310 : i1
        %or3A_313 = arith.constant false
        %or3A_314 = arith.ori %or3A_312, %or3A_313 : i1
        %or3A_315 = arith.ori %or3A_314, %eq3A_207 : i1
        %convert_element_type3A_316 = arith.extui %or3A_315 : i1 to i32
        %cond3A_317 = arith.constant 0 : i32
        %cond3A_318 = arith.cmpi ne, %convert_element_type3A_316, %cond3A_317 : i32
        scf.if %cond3A_318 {
          "tpu.trace_start"() <{level = 10 : i32, message = "ep_wait_in"}> : () -> ()
          %mul3A_448 = arith.constant 1600 : i32
          %mul3A_449 = arith.muli %add3A_211, %mul3A_448 : i32
          %add3A_450 = arith.addi %mul3A_449, %add3A_213 : i32
          %mul3A_451 = arith.constant 1 : i32
          %mul3A_452 = arith.muli %mul3A_451, %add3A_450 : i32
          %rem3A_453 = arith.constant 2 : i32
          %rem3A_454 = arith.remui %scan3A_201, %rem3A_453 : i32
          %dma_wait3A_455 = arith.constant 0 : i32
          %dma_wait3A_456 = arith.constant 0 : i32
          %dma_wait3A_457 = tpu.memref_slice %run_scoped3A[%rem3A_454, %dma_wait3A_455, %dma_wait3A_456] : memref<2x1x128xi32, #tpu.memory_space<vmem>> -> memref<1x1x128xi32, #tpu.memory_space<vmem>>
          %dma_wait3A_458 = tpu.memref_squeeze %dma_wait3A_457 : memref<1x1x128xi32, #tpu.memory_space<vmem>> -> memref<1x128xi32, #tpu.memory_space<vmem>>
          %dma_wait3A_459 = arith.constant 0 : i32
          %dma_wait3A_460 = tpu.memref_slice %arg3[%mul3A_452, %dma_wait3A_459] : memref<51200x128xi32, #tpu.memory_space<hbm>> -> memref<1x128xi32, #tpu.memory_space<hbm>>
          %dma_wait3A_461 = tpu.memref_slice %run_scoped3A_7[%rem3A_454] : memref<2x!tpu.dma_semaphore, #tpu.memory_space<semaphore_mem>> -> memref<1x!tpu.dma_semaphore, #tpu.memory_space<semaphore_mem>>
          %dma_wait3A_462 = tpu.memref_squeeze %dma_wait3A_461 : memref<1x!tpu.dma_semaphore, #tpu.memory_space<semaphore_mem>> -> memref<!tpu.dma_semaphore, #tpu.memory_space<semaphore_mem>>
          %dma_wait3A_463 = arith.constant 0 : i32
          %dma_wait3A_464 = arith.constant 0 : i32
          %dma_wait3A_465 = tpu.memref_slice %run_scoped3A[%rem3A_454, %dma_wait3A_463, %dma_wait3A_464] : memref<2x1x128xi32, #tpu.memory_space<vmem>> -> memref<1x1x128xi32, #tpu.memory_space<vmem>>
          %dma_wait3A_466 = tpu.memref_squeeze %dma_wait3A_465 : memref<1x1x128xi32, #tpu.memory_space<vmem>> -> memref<1x128xi32, #tpu.memory_space<vmem>>
          %dma_wait3A_467 = arith.constant 0 : i32
          %dma_wait3A_468 = tpu.memref_slice %arg3[%mul3A_452, %dma_wait3A_467] : memref<51200x128xi32, #tpu.memory_space<hbm>> -> memref<1x128xi32, #tpu.memory_space<hbm>>
          tpu.wait_dma2 semaphore(%dma_wait3A_462 : memref<!tpu.dma_semaphore, #tpu.memory_space<semaphore_mem>>) src(%dma_wait3A_468 : memref<1x128xi32, #tpu.memory_space<hbm>>) dst(%dma_wait3A_466 : memref<1x128xi32, #tpu.memory_space<vmem>>)
          "tpu.trace_stop"() : () -> ()
        } else {
        }
        %mul3A_319 = arith.constant 1600 : i32
        %mul3A_320 = arith.muli %add3A_211, %mul3A_319 : i32
        %add3A_321 = arith.addi %mul3A_320, %add3A_213 : i32
        %mul3A_322 = arith.constant 1600 : i32
        %mul3A_323 = arith.muli %add3A_230, %mul3A_322 : i32
        %add3A_324 = arith.addi %mul3A_323, %add3A_232 : i32
        %ne3A_325 = arith.cmpi ne, %add3A_321, %add3A_324 : i32
        %or3A_326 = arith.constant false
        %or3A_327 = arith.ori %or3A_326, %ne3A_325 : i1
        %or3A_328 = arith.constant false
        %or3A_329 = arith.ori %or3A_327, %or3A_328 : i1
        %or3A_330 = arith.ori %or3A_329, %eq3A_207 : i1
        %convert_element_type3A_331 = arith.extui %or3A_330 : i1 to i32
        %cond3A_332 = arith.constant 0 : i32
        %cond3A_333 = arith.cmpi ne, %convert_element_type3A_331, %cond3A_332 : i32
        scf.if %cond3A_333 {
        } else {
        }
        %rem3A_334 = arith.constant 2 : i32
        %rem3A_335 = arith.remui %scan3A_201, %rem3A_334 : i32
        %rem3A_336 = arith.constant 2 : i32
        %rem3A_337 = arith.remui %scan3A_202, %rem3A_336 : i32
        %run_scoped3A_338 = arith.constant 0 : i32
        "tpu.trace_start"() <{level = 10 : i32, message = "ep_run_kernel"}> : () -> ()
        "tpu.region"() ({
          %run_scoped3A_448 = tpu.sem_alloc : memref<!tpu.dma_semaphore, #tpu.memory_space<semaphore_mem>>
          %dma_start3A_449 = arith.constant 0 : i32
          %dma_start3A_450 = arith.constant 0 : i32
          %dma_start3A_451 = tpu.memref_slice %run_scoped3A_8[%rem3A_337, %dma_start3A_449, %dma_start3A_450] : memref<2x32x1024xf32, #tpu.memory_space<vmem>> -> memref<1x32x1024xf32, #tpu.memory_space<vmem>>
          %dma_start3A_452 = tpu.memref_squeeze %dma_start3A_451 : memref<1x32x1024xf32, #tpu.memory_space<vmem>> -> memref<32x1024xf32, #tpu.memory_space<vmem>>
          %dma_start3A_453 = arith.constant 0 : i32
          %dma_start3A_454 = arith.constant 0 : i32
          %dma_start3A_455 = tpu.memref_slice %run_scoped3A[%rem3A_335, %dma_start3A_453, %dma_start3A_454] : memref<2x1x128xi32, #tpu.memory_space<vmem>> -> memref<1x1x128xi32, #tpu.memory_space<vmem>>
          %dma_start3A_456 = tpu.memref_squeeze %dma_start3A_455 : memref<1x1x128xi32, #tpu.memory_space<vmem>> -> memref<1x128xi32, #tpu.memory_space<vmem>>
          %dma_start3A_457 = arith.constant 0 : i32
          %dma_start3A_458 = tpu.memref_slice %dma_start3A_456[%run_scoped3A_338, %dma_start3A_457] : memref<1x128xi32, #tpu.memory_space<vmem>> -> memref<1x32xi32, #tpu.memory_space<vmem>>
          %dma_start3A_459 = tpu.memref_squeeze %dma_start3A_458 : memref<1x32xi32, #tpu.memory_space<vmem>> -> memref<32xi32, #tpu.memory_space<vmem>>
          %dma_start3A_460 = arith.constant 0 : i32
          %dma_start3A_461 = arith.constant 0 : i32
          %dma_start3A_462 = tpu.memref_slice %arg2[%dma_start3A_460, %dma_start3A_461] : memref<10000x1024xf32, #tpu.memory_space<hbm>> -> memref<10000x1024xf32, #tpu.memory_space<hbm>>
          tpu.enqueue_indirect_dma source(%dma_start3A_462 : memref<10000x1024xf32, #tpu.memory_space<hbm>>) target(%dma_start3A_452 : memref<32x1024xf32, #tpu.memory_space<vmem>>) offsets(%dma_start3A_459 : memref<32xi32, #tpu.memory_space<vmem>>) semaphore(%run_scoped3A_448 : memref<!tpu.dma_semaphore, #tpu.memory_space<semaphore_mem>>)
          %dma_wait3A_463 = arith.constant 0 : i32
          %dma_wait3A_464 = arith.constant 0 : i32
          %dma_wait3A_465 = tpu.memref_slice %run_scoped3A_8[%rem3A_337, %dma_wait3A_463, %dma_wait3A_464] : memref<2x32x1024xf32, #tpu.memory_space<vmem>> -> memref<1x32x1024xf32, #tpu.memory_space<vmem>>
          %dma_wait3A_466 = tpu.memref_squeeze %dma_wait3A_465 : memref<1x32x1024xf32, #tpu.memory_space<vmem>> -> memref<32x1024xf32, #tpu.memory_space<vmem>>
          %dma_wait3A_467 = arith.constant 0 : i32
          %dma_wait3A_468 = arith.constant 0 : i32
          %dma_wait3A_469 = tpu.memref_slice %run_scoped3A[%rem3A_335, %dma_wait3A_467, %dma_wait3A_468] : memref<2x1x128xi32, #tpu.memory_space<vmem>> -> memref<1x1x128xi32, #tpu.memory_space<vmem>>
          %dma_wait3A_470 = tpu.memref_squeeze %dma_wait3A_469 : memref<1x1x128xi32, #tpu.memory_space<vmem>> -> memref<1x128xi32, #tpu.memory_space<vmem>>
          %dma_wait3A_471 = arith.constant 0 : i32
          %dma_wait3A_472 = tpu.memref_slice %dma_wait3A_470[%run_scoped3A_338, %dma_wait3A_471] : memref<1x128xi32, #tpu.memory_space<vmem>> -> memref<1x32xi32, #tpu.memory_space<vmem>>
          %dma_wait3A_473 = tpu.memref_squeeze %dma_wait3A_472 : memref<1x32xi32, #tpu.memory_space<vmem>> -> memref<32xi32, #tpu.memory_space<vmem>>
          %dma_wait3A_474 = arith.constant 0 : i32
          %dma_wait3A_475 = arith.constant 0 : i32
          %dma_wait3A_476 = tpu.memref_slice %arg2[%dma_wait3A_474, %dma_wait3A_475] : memref<10000x1024xf32, #tpu.memory_space<hbm>> -> memref<10000x1024xf32, #tpu.memory_space<hbm>>
          tpu.wait_indirect_dma semaphore(%run_scoped3A_448 : memref<!tpu.dma_semaphore, #tpu.memory_space<semaphore_mem>>) src(%dma_wait3A_476 : memref<10000x1024xf32, #tpu.memory_space<hbm>>) dst(%dma_wait3A_466 : memref<32x1024xf32, #tpu.memory_space<vmem>>)
          tpu.yield
        }) : () -> ()
        "tpu.trace_stop"() : () -> ()
        %mul3A_339 = arith.constant 1600 : i32
        %mul3A_340 = arith.muli %add3A_211, %mul3A_339 : i32
        %add3A_341 = arith.addi %mul3A_340, %add3A_213 : i32
        %mul3A_342 = arith.constant 1600 : i32
        %mul3A_343 = arith.muli %add3A_249, %mul3A_342 : i32
        %add3A_344 = arith.addi %mul3A_343, %add3A_251 : i32
        %ne3A_345 = arith.cmpi ne, %add3A_341, %add3A_344 : i32
        %or3A_346 = arith.constant false
        %or3A_347 = arith.ori %or3A_346, %ne3A_345 : i1
        %or3A_348 = arith.constant false
        %or3A_349 = arith.ori %or3A_347, %or3A_348 : i1
        %or3A_350 = arith.ori %or3A_349, %eq3A_209 : i1
        %convert_element_type3A_351 = arith.extui %or3A_350 : i1 to i32
        %cond3A_352 = arith.constant 0 : i32
        %cond3A_353 = arith.cmpi ne, %convert_element_type3A_351, %cond3A_352 : i32
        scf.if %cond3A_353 {
        } else {
        }
        %and3A_354 = arith.constant false
        %and3A_355 = arith.andi %or3A_350, %and3A_354 : i1
        %mul3A_356 = arith.constant 1600 : i32
        %mul3A_357 = arith.muli %add3A_211, %mul3A_356 : i32
        %add3A_358 = arith.addi %mul3A_357, %add3A_213 : i32
        %mul3A_359 = arith.constant 1600 : i32
        %mul3A_360 = arith.muli %add3A_249, %mul3A_359 : i32
        %add3A_361 = arith.addi %mul3A_360, %add3A_251 : i32
        %ne3A_362 = arith.cmpi ne, %add3A_358, %add3A_361 : i32
        %or3A_363 = arith.constant false
        %or3A_364 = arith.ori %or3A_363, %ne3A_362 : i1
        %or3A_365 = arith.constant false
        %or3A_366 = arith.ori %or3A_364, %or3A_365 : i1
        %or3A_367 = arith.ori %or3A_366, %eq3A_209 : i1
        %convert_element_type3A_368 = arith.extui %or3A_367 : i1 to i32
        %cond3A_369 = arith.constant 0 : i32
        %cond3A_370 = arith.cmpi ne, %convert_element_type3A_368, %cond3A_369 : i32
        scf.if %cond3A_370 {
          "tpu.trace_start"() <{level = 10 : i32, message = "ep_copy_out"}> : () -> ()
          %rem3A_448 = arith.constant 2 : i32
          %rem3A_449 = arith.remui %scan3A_202, %rem3A_448 : i32
          %mul3A_450 = arith.constant 1600 : i32
          %mul3A_451 = arith.muli %add3A_211, %mul3A_450 : i32
          %add3A_452 = arith.addi %mul3A_451, %add3A_213 : i32
          %mul3A_453 = arith.constant 32 : i32
          %mul3A_454 = arith.muli %mul3A_453, %add3A_452 : i32
          %dma_start3A_455 = arith.constant 0 : i32
          %dma_start3A_456 = arith.constant 0 : i32
          %dma_start3A_457 = tpu.memref_slice %run_scoped3A_8[%rem3A_449, %dma_start3A_455, %dma_start3A_456] : memref<2x32x1024xf32, #tpu.memory_space<vmem>> -> memref<1x32x1024xf32, #tpu.memory_space<vmem>>
          %dma_start3A_458 = tpu.memref_squeeze %dma_start3A_457 : memref<1x32x1024xf32, #tpu.memory_space<vmem>> -> memref<32x1024xf32, #tpu.memory_space<vmem>>
          %dma_start3A_459 = arith.constant 0 : i32
          %dma_start3A_460 = tpu.memref_slice %arg4[%mul3A_454, %dma_start3A_459] : memref<1638400x1024xf32, #tpu.memory_space<hbm>> -> memref<32x1024xf32, #tpu.memory_space<hbm>>
          %dma_start3A_461 = tpu.memref_slice %run_scoped3A_9[%rem3A_449] : memref<2x!tpu.dma_semaphore, #tpu.memory_space<semaphore_mem>> -> memref<1x!tpu.dma_semaphore, #tpu.memory_space<semaphore_mem>>
          %dma_start3A_462 = tpu.memref_squeeze %dma_start3A_461 : memref<1x!tpu.dma_semaphore, #tpu.memory_space<semaphore_mem>> -> memref<!tpu.dma_semaphore, #tpu.memory_space<semaphore_mem>>
          %dma_start3A_463 = arith.constant 0 : i32
          %dma_start3A_464 = tpu.memref_slice %arg4[%mul3A_454, %dma_start3A_463] : memref<1638400x1024xf32, #tpu.memory_space<hbm>> -> memref<32x1024xf32, #tpu.memory_space<hbm>>
          %dma_start3A_465 = arith.constant 0 : i32
          %dma_start3A_466 = arith.constant 0 : i32
          %dma_start3A_467 = tpu.memref_slice %run_scoped3A_8[%rem3A_449, %dma_start3A_465, %dma_start3A_466] : memref<2x32x1024xf32, #tpu.memory_space<vmem>> -> memref<1x32x1024xf32, #tpu.memory_space<vmem>>
          %dma_start3A_468 = tpu.memref_squeeze %dma_start3A_467 : memref<1x32x1024xf32, #tpu.memory_space<vmem>> -> memref<32x1024xf32, #tpu.memory_space<vmem>>
          tpu.enqueue_dma source(%dma_start3A_468 : memref<32x1024xf32, #tpu.memory_space<vmem>>) target(%dma_start3A_464 : memref<32x1024xf32, #tpu.memory_space<hbm>>) target_semaphore(%dma_start3A_462 : memref<!tpu.dma_semaphore, #tpu.memory_space<semaphore_mem>>)
          "tpu.trace_stop"() : () -> ()
        } else {
        }
        %and3A_371 = arith.constant true
        %and3A_372 = arith.andi %or3A_367, %and3A_371 : i1
        %add3A_373 = arith.constant 1 : i32
        %add3A_374 = arith.addi %scan3A_202, %add3A_373 : i32
        %select_n3A_375 = arith.select %and3A_372, %add3A_374, %scan3A_202 : i32
        %mul3A_376 = arith.constant 1600 : i32
        %mul3A_377 = arith.muli %add3A_211, %mul3A_376 : i32
        %add3A_378 = arith.addi %mul3A_377, %add3A_213 : i32
        %mul3A_379 = arith.constant 1600 : i32
        %mul3A_380 = arith.muli %add3A_230, %mul3A_379 : i32
        %add3A_381 = arith.addi %mul3A_380, %add3A_232 : i32
        %ne3A_382 = arith.cmpi ne, %add3A_378, %add3A_381 : i32
        %or3A_383 = arith.constant false
        %or3A_384 = arith.ori %or3A_383, %ne3A_382 : i1
        %or3A_385 = arith.constant false
        %or3A_386 = arith.ori %or3A_384, %or3A_385 : i1
        %not3A_387 = arith.constant true
        %not3A_388 = arith.xori %eq3A_207, %not3A_387 : i1
        %and3A_389 = arith.andi %or3A_386, %not3A_388 : i1
        %convert_element_type3A_390 = arith.extui %and3A_389 : i1 to i32
        %cond3A_391 = arith.constant 0 : i32
        %cond3A_392 = arith.cmpi ne, %convert_element_type3A_390, %cond3A_391 : i32
        scf.if %cond3A_392 {
        } else {
        }
        %and3A_393 = arith.constant false
        %and3A_394 = arith.andi %and3A_389, %and3A_393 : i1
        %mul3A_395 = arith.constant 1600 : i32
        %mul3A_396 = arith.muli %add3A_211, %mul3A_395 : i32
        %add3A_397 = arith.addi %mul3A_396, %add3A_213 : i32
        %mul3A_398 = arith.constant 1600 : i32
        %mul3A_399 = arith.muli %add3A_230, %mul3A_398 : i32
        %add3A_400 = arith.addi %mul3A_399, %add3A_232 : i32
        %ne3A_401 = arith.cmpi ne, %add3A_397, %add3A_400 : i32
        %or3A_402 = arith.constant false
        %or3A_403 = arith.ori %or3A_402, %ne3A_401 : i1
        %or3A_404 = arith.constant false
        %or3A_405 = arith.ori %or3A_403, %or3A_404 : i1
        %not3A_406 = arith.constant true
        %not3A_407 = arith.xori %eq3A_207, %not3A_406 : i1
        %and3A_408 = arith.andi %or3A_405, %not3A_407 : i1
        %convert_element_type3A_409 = arith.extui %and3A_408 : i1 to i32
        %cond3A_410 = arith.constant 0 : i32
        %cond3A_411 = arith.cmpi ne, %convert_element_type3A_409, %cond3A_410 : i32
        scf.if %cond3A_411 {
          "tpu.trace_start"() <{level = 10 : i32, message = "ep_wait_out"}> : () -> ()
          %rem3A_448 = arith.constant 2 : i32
          %rem3A_449 = arith.remui %scan3A_203, %rem3A_448 : i32
          %mul3A_450 = arith.constant 1600 : i32
          %mul3A_451 = arith.muli %add3A_230, %mul3A_450 : i32
          %add3A_452 = arith.addi %mul3A_451, %add3A_232 : i32
          %mul3A_453 = arith.constant 32 : i32
          %mul3A_454 = arith.muli %mul3A_453, %add3A_452 : i32
          %dma_wait3A_455 = arith.constant 0 : i32
          %dma_wait3A_456 = arith.constant 0 : i32
          %dma_wait3A_457 = tpu.memref_slice %run_scoped3A_8[%rem3A_449, %dma_wait3A_455, %dma_wait3A_456] : memref<2x32x1024xf32, #tpu.memory_space<vmem>> -> memref<1x32x1024xf32, #tpu.memory_space<vmem>>
          %dma_wait3A_458 = tpu.memref_squeeze %dma_wait3A_457 : memref<1x32x1024xf32, #tpu.memory_space<vmem>> -> memref<32x1024xf32, #tpu.memory_space<vmem>>
          %dma_wait3A_459 = arith.constant 0 : i32
          %dma_wait3A_460 = tpu.memref_slice %arg4[%mul3A_454, %dma_wait3A_459] : memref<1638400x1024xf32, #tpu.memory_space<hbm>> -> memref<32x1024xf32, #tpu.memory_space<hbm>>
          %dma_wait3A_461 = tpu.memref_slice %run_scoped3A_9[%rem3A_449] : memref<2x!tpu.dma_semaphore, #tpu.memory_space<semaphore_mem>> -> memref<1x!tpu.dma_semaphore, #tpu.memory_space<semaphore_mem>>
          %dma_wait3A_462 = tpu.memref_squeeze %dma_wait3A_461 : memref<1x!tpu.dma_semaphore, #tpu.memory_space<semaphore_mem>> -> memref<!tpu.dma_semaphore, #tpu.memory_space<semaphore_mem>>
          %dma_wait3A_463 = arith.constant 0 : i32
          %dma_wait3A_464 = tpu.memref_slice %arg4[%mul3A_454, %dma_wait3A_463] : memref<1638400x1024xf32, #tpu.memory_space<hbm>> -> memref<32x1024xf32, #tpu.memory_space<hbm>>
          %dma_wait3A_465 = arith.constant 0 : i32
          %dma_wait3A_466 = arith.constant 0 : i32
          %dma_wait3A_467 = tpu.memref_slice %run_scoped3A_8[%rem3A_449, %dma_wait3A_465, %dma_wait3A_466] : memref<2x32x1024xf32, #tpu.memory_space<vmem>> -> memref<1x32x1024xf32, #tpu.memory_space<vmem>>
          %dma_wait3A_468 = tpu.memref_squeeze %dma_wait3A_467 : memref<1x32x1024xf32, #tpu.memory_space<vmem>> -> memref<32x1024xf32, #tpu.memory_space<vmem>>
          tpu.wait_dma2 semaphore(%dma_wait3A_462 : memref<!tpu.dma_semaphore, #tpu.memory_space<semaphore_mem>>) src(%dma_wait3A_468 : memref<32x1024xf32, #tpu.memory_space<vmem>>) dst(%dma_wait3A_464 : memref<32x1024xf32, #tpu.memory_space<hbm>>)
          "tpu.trace_stop"() : () -> ()
        } else {
        }
        %and3A_412 = arith.constant true
        %and3A_413 = arith.andi %and3A_408, %and3A_412 : i1
        %add3A_414 = arith.constant 1 : i32
        %add3A_415 = arith.addi %scan3A_203, %add3A_414 : i32
        %select_n3A_416 = arith.select %and3A_413, %add3A_415, %scan3A_203 : i32
        %mul3A_417 = arith.constant 1600 : i32
        %mul3A_418 = arith.muli %add3A_211, %mul3A_417 : i32
        %add3A_419 = arith.addi %mul3A_418, %add3A_213 : i32
        %mul3A_420 = arith.constant 1600 : i32
        %mul3A_421 = arith.muli %add3A_249, %mul3A_420 : i32
        %add3A_422 = arith.addi %mul3A_421, %add3A_251 : i32
        %ne3A_423 = arith.cmpi ne, %add3A_419, %add3A_422 : i32
        %or3A_424 = arith.constant false
        %or3A_425 = arith.ori %or3A_424, %ne3A_423 : i1
        %or3A_426 = arith.constant false
        %or3A_427 = arith.ori %or3A_425, %or3A_426 : i1
        %or3A_428 = arith.ori %or3A_427, %eq3A_209 : i1
        %add3A_429 = arith.constant 1 : i32
        %add3A_430 = arith.addi %scan3A_201, %add3A_429 : i32
        %select_n3A_431 = arith.select %or3A_428, %add3A_430, %scan3A_201 : i32
        %add3A_432 = arith.constant 1 : i32
        %add3A_433 = arith.addi %scan3A_205, %add3A_432 : i32
        %select_n3A_434 = arith.constant true
        %select_n3A_435 = arith.select %select_n3A_434, %add3A_433, %scan3A_205 : i32
        %eq3A_436 = arith.constant 1600 : i32
        %eq3A_437 = arith.cmpi eq, %select_n3A_435, %eq3A_436 : i32
        %select_n3A_438 = arith.constant 0 : i32
        %select_n3A_439 = arith.select %eq3A_437, %select_n3A_438, %select_n3A_435 : i32
        %select_n3A_440 = arith.constant 0 : i32
        %select_n3A_441 = arith.constant 1 : i32
        %select_n3A_442 = arith.select %eq3A_437, %select_n3A_441, %select_n3A_440 : i32
        %eq3A_443 = arith.constant 1 : i32
        %eq3A_444 = arith.cmpi eq, %select_n3A_442, %eq3A_443 : i32
        %select_n3A_445 = arith.constant 0 : i32
        %select_n3A_446 = arith.select %eq3A_444, %select_n3A_445, %select_n3A_442 : i32
        %scan3A_447 = arith.constant 0 : i32
        scf.yield %select_n3A_287, %select_n3A_431, %select_n3A_375, %select_n3A_416, %scan3A_447, %select_n3A_439 : i32, i32, i32, i32, i32, i32
      }
      %scan3A_103 = arith.constant 1600 : i32
      %sub3A = arith.constant 1 : i32
      %sub3A_104 = arith.subi %scan3A_102#5, %sub3A : i32
      %select_n3A_105 = arith.constant true
      %select_n3A_106 = arith.select %select_n3A_105, %sub3A_104, %scan3A_102#5 : i32
      %eq3A_107 = arith.constant -1 : i32
      %eq3A_108 = arith.cmpi eq, %select_n3A_106, %eq3A_107 : i32
      %select_n3A_109 = arith.constant 1599 : i32
      %select_n3A_110 = arith.select %eq3A_108, %select_n3A_109, %select_n3A_106 : i32
      %sub3A_111 = arith.constant 1 : i32
      %sub3A_112 = arith.subi %scan3A_102#4, %sub3A_111 : i32
      %select_n3A_113 = arith.select %eq3A_108, %sub3A_112, %scan3A_102#4 : i32
      %eq3A_114 = arith.constant -1 : i32
      %eq3A_115 = arith.cmpi eq, %select_n3A_113, %eq3A_114 : i32
      %select_n3A_116 = arith.constant 0 : i32
      %select_n3A_117 = arith.select %eq3A_115, %select_n3A_116, %select_n3A_113 : i32
      %add3A_118 = arith.constant 0 : i32
      %add3A_119 = arith.addi %add3A_118, %mul3A_6 : i32
      %add3A_120 = arith.constant 0 : i32
      %add3A_121 = arith.addi %select_n3A_110, %add3A_120 : i32
      %sub3A_122 = arith.constant 1 : i32
      %sub3A_123 = arith.subi %select_n3A_110, %sub3A_122 : i32
      %select_n3A_124 = arith.constant true
      %select_n3A_125 = arith.select %select_n3A_124, %sub3A_123, %select_n3A_110 : i32
      %eq3A_126 = arith.constant -1 : i32
      %eq3A_127 = arith.cmpi eq, %select_n3A_125, %eq3A_126 : i32
      %select_n3A_128 = arith.constant 1599 : i32
      %select_n3A_129 = arith.select %eq3A_127, %select_n3A_128, %select_n3A_125 : i32
      %select_n3A_130 = arith.constant 0 : i32
      %select_n3A_131 = arith.constant -1 : i32
      %select_n3A_132 = arith.select %eq3A_127, %select_n3A_131, %select_n3A_130 : i32
      %eq3A_133 = arith.constant -1 : i32
      %eq3A_134 = arith.cmpi eq, %select_n3A_132, %eq3A_133 : i32
      %select_n3A_135 = arith.constant 0 : i32
      %select_n3A_136 = arith.select %eq3A_134, %select_n3A_135, %select_n3A_132 : i32
      %add3A_137 = arith.constant 0 : i32
      %add3A_138 = arith.addi %add3A_137, %mul3A_6 : i32
      %add3A_139 = arith.constant 0 : i32
      %add3A_140 = arith.addi %select_n3A_129, %add3A_139 : i32
      %add3A_141 = arith.constant 1 : i32
      %add3A_142 = arith.addi %select_n3A_110, %add3A_141 : i32
      %select_n3A_143 = arith.constant true
      %select_n3A_144 = arith.select %select_n3A_143, %add3A_142, %select_n3A_110 : i32
      %eq3A_145 = arith.constant 1600 : i32
      %eq3A_146 = arith.cmpi eq, %select_n3A_144, %eq3A_145 : i32
      %select_n3A_147 = arith.constant 0 : i32
      %select_n3A_148 = arith.select %eq3A_146, %select_n3A_147, %select_n3A_144 : i32
      %select_n3A_149 = arith.constant 0 : i32
      %select_n3A_150 = arith.constant 1 : i32
      %select_n3A_151 = arith.select %eq3A_146, %select_n3A_150, %select_n3A_149 : i32
      %eq3A_152 = arith.constant 1 : i32
      %eq3A_153 = arith.cmpi eq, %select_n3A_151, %eq3A_152 : i32
      %select_n3A_154 = arith.constant 0 : i32
      %select_n3A_155 = arith.select %eq3A_153, %select_n3A_154, %select_n3A_151 : i32
      %add3A_156 = arith.constant 0 : i32
      %add3A_157 = arith.addi %add3A_156, %mul3A_6 : i32
      %add3A_158 = arith.constant 0 : i32
      %add3A_159 = arith.addi %select_n3A_148, %add3A_158 : i32
      %add3A_160 = arith.constant 1 : i32
      %add3A_161 = arith.addi %select_n3A_148, %add3A_160 : i32
      %select_n3A_162 = arith.constant true
      %select_n3A_163 = arith.select %select_n3A_162, %add3A_161, %select_n3A_148 : i32
      %eq3A_164 = arith.constant 1600 : i32
      %eq3A_165 = arith.cmpi eq, %select_n3A_163, %eq3A_164 : i32
      %select_n3A_166 = arith.constant 0 : i32
      %select_n3A_167 = arith.select %eq3A_165, %select_n3A_166, %select_n3A_163 : i32
      %select_n3A_168 = arith.constant 0 : i32
      %select_n3A_169 = arith.constant 1 : i32
      %select_n3A_170 = arith.select %eq3A_165, %select_n3A_169, %select_n3A_168 : i32
      %eq3A_171 = arith.constant 1 : i32
      %eq3A_172 = arith.cmpi eq, %select_n3A_170, %eq3A_171 : i32
      %select_n3A_173 = arith.constant 0 : i32
      %select_n3A_174 = arith.select %eq3A_172, %select_n3A_173, %select_n3A_170 : i32
      %add3A_175 = arith.constant 0 : i32
      %add3A_176 = arith.addi %add3A_175, %mul3A_6 : i32
      %add3A_177 = arith.constant 0 : i32
      %add3A_178 = arith.addi %select_n3A_167, %add3A_177 : i32
      "tpu.trace_start"() <{level = 10 : i32, message = "ep_finalize"}> : () -> ()
      %rem3A_179 = arith.constant 2 : i32
      %rem3A_180 = arith.remui %scan3A_102#3, %rem3A_179 : i32
      %mul3A_181 = arith.constant 1600 : i32
      %mul3A_182 = arith.muli %add3A_119, %mul3A_181 : i32
      %add3A_183 = arith.addi %mul3A_182, %add3A_121 : i32
      %mul3A_184 = arith.constant 32 : i32
      %mul3A_185 = arith.muli %mul3A_184, %add3A_183 : i32
      %dma_wait3A = arith.constant 0 : i32
      %dma_wait3A_186 = arith.constant 0 : i32
      %dma_wait3A_187 = tpu.memref_slice %run_scoped3A_8[%rem3A_180, %dma_wait3A, %dma_wait3A_186] : memref<2x32x1024xf32, #tpu.memory_space<vmem>> -> memref<1x32x1024xf32, #tpu.memory_space<vmem>>
      %dma_wait3A_188 = tpu.memref_squeeze %dma_wait3A_187 : memref<1x32x1024xf32, #tpu.memory_space<vmem>> -> memref<32x1024xf32, #tpu.memory_space<vmem>>
      %dma_wait3A_189 = arith.constant 0 : i32
      %dma_wait3A_190 = tpu.memref_slice %arg4[%mul3A_185, %dma_wait3A_189] : memref<1638400x1024xf32, #tpu.memory_space<hbm>> -> memref<32x1024xf32, #tpu.memory_space<hbm>>
      %dma_wait3A_191 = tpu.memref_slice %run_scoped3A_9[%rem3A_180] : memref<2x!tpu.dma_semaphore, #tpu.memory_space<semaphore_mem>> -> memref<1x!tpu.dma_semaphore, #tpu.memory_space<semaphore_mem>>
      %dma_wait3A_192 = tpu.memref_squeeze %dma_wait3A_191 : memref<1x!tpu.dma_semaphore, #tpu.memory_space<semaphore_mem>> -> memref<!tpu.dma_semaphore, #tpu.memory_space<semaphore_mem>>
      %dma_wait3A_193 = arith.constant 0 : i32
      %dma_wait3A_194 = tpu.memref_slice %arg4[%mul3A_185, %dma_wait3A_193] : memref<1638400x1024xf32, #tpu.memory_space<hbm>> -> memref<32x1024xf32, #tpu.memory_space<hbm>>
      %dma_wait3A_195 = arith.constant 0 : i32
      %dma_wait3A_196 = arith.constant 0 : i32
      %dma_wait3A_197 = tpu.memref_slice %run_scoped3A_8[%rem3A_180, %dma_wait3A_195, %dma_wait3A_196] : memref<2x32x1024xf32, #tpu.memory_space<vmem>> -> memref<1x32x1024xf32, #tpu.memory_space<vmem>>
      %dma_wait3A_198 = tpu.memref_squeeze %dma_wait3A_197 : memref<1x32x1024xf32, #tpu.memory_space<vmem>> -> memref<32x1024xf32, #tpu.memory_space<vmem>>
      tpu.wait_dma2 semaphore(%dma_wait3A_192 : memref<!tpu.dma_semaphore, #tpu.memory_space<semaphore_mem>>) src(%dma_wait3A_198 : memref<32x1024xf32, #tpu.memory_space<vmem>>) dst(%dma_wait3A_194 : memref<32x1024xf32, #tpu.memory_space<hbm>>)
      "tpu.trace_stop"() : () -> ()
      tpu.yield
    }) : () -> ()
    return
  }
}

</mosaic_0001>

<sc_bundles>
// kernel: kernel.3.cloned.1.call-start
scs
__scs_entry_jumppad:
0x0: {  	(pc) =	sbr.rel $0x88, $3  }
0x1: {  	(tag) =	ssettag $0x0;
	lr =	simm.s32 $0x1  }
0x2: {  	[smem:$0x3F9F] =	sst lr;
	_ =	strace $0xD0000000  }
0x3: {  	_ = 	snop  }
0x4: {  	_ = 	snop  }
0x5: {  	_ = 	snop  }
0x6: {  	_ = 	snop  }
0x7: {  	_ = 	snop  }
__scs_overlays_trampoline_lowered:
0x8: {  	[smem:$0x3FAE] =	sst s0  }
0x9: {  	[smem:$0x3FAF] =	sst s1  }
0xa: {  	[smem:$0x3FB0] =	sst s2  }
0xb: {  	[smem:$0x3FB1] =	sst s3  }
0xc: {  	[smem:$0x3FB2] =	sst s4  }
0xd: {  	[smem:$0x3FB3] =	sst s5  }
0xe: {  	[smem:$0x3FB4] =	sst s6  }
0xf: {  	[smem:$0x3FB5] =	sst s7  }
0x10: {  	[smem:$0x3FB6] =	sst s8  }
0x11: {  	[smem:$0x3FB7] =	sst s9;
	s0 =	simm.s32 @!p0 $0x0  }
0x12: {  	s1 =	sld [smem:$0x3F9D];
	s0 =	simm.s32 @p0 $0x1  }
0x13: {  	[smem:$0x3FB8] =	sst s0;
	s0 =	simm.s32 @!p1 $0x0  }
0x14: {  	s2 =	sld [smem:$0x3F9C];
	s0 =	simm.s32 @p1 $0x1  }
0x15: {  	[smem:$0x3FB9] =	sst s0;
	s0 =	simm.s32 @!p2 $0x0  }
0x16: {  	s3 =	sld [smem:$0x3FDB];
	s0 =	simm.s32 @p2 $0x1  }
0x17: {  	s4 =	simm.s32 $0x1BF5;
	[smem:$0x3FBB] =	sst s0  }
0x18: {  	s0 =	sld [smem:$0x3F9E];
	_ =	swait.ge [sflag:s4], $0x0  }
0x19: {  	s7 =	sld [smem:$0x3F9F]  }
0x1a: {  	s8 =	sadd.s32 $0xFFFFE003, lr  }
0x1b: {  	s9 =	sadd.s32 $0xFFFFFEF7, lr;
	s5 =	simm.s32 $0xFFFFFFFF;
	p2 =	slt.u32 s8, $0xFFFFF086  }
0x1c: {  	p1 =	slt.u32 s9, $0xF7A;
	s5 =	simm.s32 @!p2 $0x0  }
0x1d: {  	s5 =	simm.s32 @p1 $0x1;
	p0 =	seq.s32 s7, s2  }
0x1e: {  	s7 =	smul.u32 @!p0 $0xF7A, s2;
	p2 =	seq.s32 @!p0 s5, $0x0  }
0x1f: {  	s9 =	smul.u32 $0xF7A, s1;
	s8 =	simm.s32 @!p0 $0x1BF5;
	p2 =	por !p2, p0  }
0x20: {  	[sflag:s8] =	ssyncset.s32 @!p0 $0xFFFFF086;
	s6 =	sadd.s32 @!p0 s3, s7;
	s7 =	simm.s32 @!p0 $0x108  }
0x21: {  	s3 =	sadd.s32 s3, s9;
	s6 =	sadd.s32 @!p0 $0x88, s6;
	s7 =	simm.s32 @p2 $0x1082  }
0x22: {  	[simem:s7], [sflag:s8] =	dma.local @!p0 [hbm:s6], $0xF7A  }
0x23: {  	s9 =	sor.u32 $0xD0000000, s2;
	s6 =	simm.s32 $0x108;
	_ =	swait.ge @!p0 [sflag:s8], $0x0  }
0x24: {  	s3 =	sadd.s32 $0x88, s3;
	s6 =	simm.s32 @!p1 $0x1082;
	[sflag:s4] =	ssyncset.s32 $0xFFFFF086  }
0x25: {  	[simem:s6], [sflag:s4] =	dma.local [hbm:s3], $0xF7A  }
0x26: {  	[smem:$0x3F9F] =	sst s1;
	(tag) =	ssettag s2;
	_ =	strace s9  }
0x27: {  	s1 =	sld [smem:$0x3FAF]  }
0x28: {  	s2 =	sld [smem:$0x3FB0]  }
0x29: {  	s4 =	sld [smem:$0x3FB2]  }
0x2a: {  	p0 =	seq.s32 s5, $0x0;
	s5 =	sld [smem:$0x3FB3]  }
0x2b: {  	s6 =	sld [smem:$0x3FB4]  }
0x2c: {  	s7 =	sld [smem:$0x3FB5]  }
0x2d: {  	s3 =	simm.s32 $0x108;
	s8 =	sld [smem:$0x3FB6]  }
0x2e: {  	s3 =	simm.s32 @!p0 $0x1082;
	s9 =	sld [smem:$0x3FB7]  }
0x2f: {  	lr =	sadd.s32 s0, s3;
	s0 =	sld [smem:$0x3FAE]  }
0x30: {  	s3 =	sld [smem:$0x3FB1]  }
0x31: {  	[smem:$0x3FBA] =	sst s10  }
0x32: {  	s10 =	sld [smem:$0x3FB8];
	_ =	sdelay $0x3  }
0x33: {  	p0 =	seq.s32 s10, $0x1;
	s10 =	sld [smem:$0x3FBA];
	_ =	sdelay $0x3  }
0x34: {  	[smem:$0x3FBA] =	sst s10  }
0x35: {  	s10 =	sld [smem:$0x3FB9];
	_ =	sdelay $0x3  }
0x36: {  	p1 =	seq.s32 s10, $0x1;
	s10 =	sld [smem:$0x3FBA];
	_ =	sdelay $0x3  }
0x37: {  	[smem:$0x3FBA] =	sst s10  }
0x38: {  	s10 =	sld [smem:$0x3FBB]  }
0x39: {  	_ = 	snop;
	(pc) =	sbr.ind lr, $3  }
0x3a: {  	_ = 	snop  }
0x3b: {  	_ = 	snop  }
0x3c: {  	p2 =	seq.s32 s10, $0x1;
	s10 =	sld [smem:$0x3FBA]  }
0x3d: {  	_ =	shalt  }
0x3e: {  	_ =	shalt  }
0x3f: {  	_ =	shalt  }
0x40: {  	_ =	shalt  }
0x41: {  	_ =	shalt  }
0x42: {  	_ =	shalt  }
0x43: {  	_ =	shalt  }
0x44: {  	_ =	shalt  }
0x45: {  	_ =	shalt  }
0x46: {  	_ =	shalt  }
0x47: {  	_ =	shalt  }
0x48: {  	_ =	shalt  }
0x49: {  	_ =	shalt  }
0x4a: {  	_ =	shalt  }
0x4b: {  	_ =	shalt  }
0x4c: {  	_ =	shalt  }
0x4d: {  	_ =	shalt  }
0x4e: {  	_ =	shalt  }
0x4f: {  	_ =	shalt  }
0x50: {  	_ =	shalt  }
0x51: {  	_ =	shalt  }
0x52: {  	_ =	shalt  }
0x53: {  	_ =	shalt  }
0x54: {  	_ =	shalt  }
0x55: {  	_ =	shalt  }
0x56: {  	_ =	shalt  }
0x57: {  	_ =	shalt  }
0x58: {  	_ =	shalt  }
0x59: {  	_ =	shalt  }
0x5a: {  	_ =	shalt  }
0x5b: {  	_ =	shalt  }
0x5c: {  	_ =	shalt  }
0x5d: {  	_ =	shalt  }
0x5e: {  	_ =	shalt  }
0x5f: {  	_ =	shalt  }
0x60: {  	_ =	shalt  }
0x61: {  	_ =	shalt  }
0x62: {  	_ =	shalt  }
0x63: {  	_ =	shalt  }
0x64: {  	_ =	shalt  }
0x65: {  	_ =	shalt  }
0x66: {  	_ =	shalt  }
0x67: {  	_ =	shalt  }
0x68: {  	_ =	shalt  }
0x69: {  	_ =	shalt  }
0x6a: {  	_ =	shalt  }
0x6b: {  	_ =	shalt  }
0x6c: {  	_ =	shalt  }
0x6d: {  	_ =	shalt  }
0x6e: {  	_ =	shalt  }
0x6f: {  	_ =	shalt  }
0x70: {  	_ =	shalt  }
0x71: {  	_ =	shalt  }
0x72: {  	_ =	shalt  }
0x73: {  	_ =	shalt  }
0x74: {  	_ =	shalt  }
0x75: {  	_ =	shalt  }
0x76: {  	_ =	shalt  }
0x77: {  	_ =	shalt  }
0x78: {  	_ =	shalt  }
0x79: {  	_ =	shalt  }
0x7a: {  	_ =	shalt  }
0x7b: {  	_ =	shalt  }
0x7c: {  	_ =	shalt  }
0x7d: {  	_ =	shalt  }
0x7e: {  	_ =	shalt  }
0x7f: {  	_ =	shalt  }
0x80: {  	_ =	shalt  }
0x81: {  	_ =	shalt  }
0x82: {  	_ =	shalt  }
0x83: {  	_ =	shalt  }
0x84: {  	_ =	shalt  }
0x85: {  	_ =	shalt  }
0x86: {  	_ =	shalt  }
0x87: {  	_ =	shalt  }
.Lfunc_end0:
.L_simem_size_0:
called_computation_lowered:
.L_overlay_start_0:
0x88: {  	s2 =	sld [smem:$0x3FD9]  }
0x89: {  	s3 =	sld [smem:$0x3FFE];
	_ =	sdelay $0x1  }
0x8a: {  	s1 =	srdreg.scid  }
0x8b: {  	s0 =	sand.u32 $0x1, s1  }
0x8c: {  	s17 =	sshll.u32 s0, $0xA;
	s2 =	sadd.s32 s3, s2  }
0x8d: {  	s2 =	sadd.s32 s2, s17  }
0x8e: {  	[smem:$0x3FC6] =	sst s2  }
0x8f: {  	_ = 	snop  }
0x90: {  	s2 =	sld [smem:$0x3FD0];
	(tm) =	ssettm $0x1  }
0x91: {  	s18 =	sld [smem:$0x3FFB];
	_ =	sdelay $0x3  }
0x92: {  	_ =	strace s18  }
0x93: {  	s3 =	sld [smem:$0x3FFC];
	_ =	sdelay $0x3  }
0x94: {  	_ =	strace s3  }
0x95: {  	s3 =	sld [smem:$0x3FFD];
	_ =	sdelay $0x3  }
0x96: {  	_ =	strace s3  }
0x97: {  	_ =	strace $0x8FFFFFFF  }
0x98: {  	s19 =	sld [smem:$0x3FDB];
	_ =	sdelay $0x1  }
0x99: {  	s4 =	simm.s32 $_scs_section_size  }
0x9a: {  	s5 =	simm.s32 $_size__tile_overlayer_lowered;
	s6 =	simm.s32 $_tile_overlayer_lowered  }
0x9b: {  	s22 =	simm.s32 $0x1BFF;
	s21 =	sshll.u32 s6, $0x1;
	s3 =	sadd.s32 s4, s19  }
0x9c: {  	s7 =	simm.s32 $0x0;
	s20 =	sshll.u32 s5, $0x1;
	s5 =	sadd.s32 s21, s3  }
0x9d: {  	[timem:s7], [sflag:s22] =	dma.local [hbm:s5], s20  }
0x9e: {  	_ =	swait.ge [sflag:s22], s20  }
0x9f: {  	s4 =	ssub.s32 $0x0, s20;
	[sflag:s22] =	ssyncset.done $0x0  }
0xa0: {  	[sflag:s22] =	ssyncadd.s32 s4;
	_ =	sdelay $0x1  }
0xa1: {  	s23 =	simm.s32 $0x1B8B  }
0xa2: {  	_ =	swait.ge [sflag:s23], $0x1  }
0xa3: {  	[sflag:s23] =	ssyncset.done $0x0  }
0xa4: {  	s25 =	simm.s32 $0x1B8E;
	s24 =	sld [smem:$0x3FFE];
	[sflag:s23] =	ssyncadd.s32 $0xFFFFFFFF  }
0xa5: {  	s26 =	simm.s32 $execute0_lowered;
	[smem:$0x3FD2] =	sst s25  }
0xa6: {  	s5 =	sshll.u32 s26, $0x1;
	_ =	strace $0x80000046;
	[dreg:$0x1] =	wrdreg $0xFFFFFFFF  }
0xa7: {  	s28 =	simm.s32 $_size_execute0_lowered;
	s3 =	sadd.s32 s3, s5;
	[dreg:$0x0] =	wrdreg $0x0  }
0xa8: {  	s5 =	sshll.u32 s28, $0x1;
	[dreg:$0x2] =	wrdreg s3  }
0xa9: {  	[dreg:$0x3] =	wrdreg s5  }
0xaa: {  	[dreg:$0x4] =	wrdreg $0xC0  }
0xab: {  	_ =	task [dreg:s7], $0x5FFFF  }
0xac: {  	[dreg:$0x1] =	wrdreg $0xFFFFFFFF  }
0xad: {  	[dreg:$0x0] =	wrdreg $0x60  }
0xae: {  	[dreg:$0x2] =	wrdreg s24  }
0xaf: {  	[dreg:$0x3] =	wrdreg s2  }
0xb0: {  	[dreg:$0x4] =	wrdreg $0x9  }
0xb1: {  	_ =	task.clear_ibuf [dreg:s7], $0x5FFFF;
	_ =	strace $0x90000046  }
0xb2: {  	s29 =	simm.s32 $0x9;
	_ =	strace $0x8000004F  }
0xb3: {  	_ =	swait.ge [sflag:s29], $0x1  }
0xb4: {  	[sflag:s29] =	ssyncadd.s32 $0xFFFFFFFF  }
0xb5: {  	_ =	strace $0x9000004F  }
0xb6: {  	_ =	sfence  }
0xb7: {  	s30 =	sld [smem:$0x0];
	_ =	sdelay $0x2  }
0xb8: {  	s31 =	sshll.u32 s1, $0xD;
	s1 =	sshrl.u32 s1, $0x2  }
0xb9: {  	s3 =	sand.u32 $0x4000, s31;
	s1 =	sadd.s32 s1, s30  }
0xba: {  	s0 =	sor.u32 s3, s0;
	s1 =	sshll.u32 s1, $0x11  }
0xbb: {  	s0 =	sor.u32 s1, s0  }
0xbc: {  	s0 =	sadd.s32 $0x8F2B, s0  }
0xbd: {  	[sflag:s0] =	ssyncadd.remote.s32 $0x1  }
0xbe: {  	_ =	sfence.sel $0xFFFF  }
0xbf: {  	[dreg:$0x0] =	wrdreg $0xFFFFFFFF;
	(pc) =	sbr.abs _section_cstart, $3  }
0xc0: {  	[dreg:$0x1] =	wrdreg $0xFFFFFFFF  }
0xc1: {  	_ =	task.clear_ibuf [dreg:s7], $0x2FFFF;
	_ =	strace $0x9FFFFFFF  }
0xc2: {  	(tm) =	ssettm $0x7FFFFFFF  }
0xc3: {  	_ =	shalt  }
tec
execute0_lowered:
.L_overlay_start_1:
0x0: {  	(tag) =	ssettag $0x1  }
0x1: {  	s9 =	rddreg [dreg:$0x0]  }
0x2: {  	s1 =	rddreg [dreg:$0x1];
	s2 =	srdreg.scid;
	s3 =	simm.s32 $0x0  }
0x3: {  	s0 =	stileid.u32;
	s12 =	simm.s32 $0x5;
	s13 =	simm.s32 $0x0  }
0x4: {  	s4 =	sand.u32 $0x1, s2;
	[smem:$0x7FF] =	sst s3;
	s7 =	sadd.s32 $0x138A00, s9  }
0x5: {  	s5 =	sshll.u32 s4, $0x4;
	_ =	strace $0x80000047;
	s6 =	ssub.s32 $0x2, s4  }
0x6: {  	s4 =	sadd.s32 $0x200, s9;
	[dreg:$0x3] =	wrdreg s7;
	s5 =	sor.u32 s0, s5  }
0x7: {  	v2 =	vlaneseq.u32;
	s7 =	sadd.s32 $0x300, s9;
	s8 =	sshrl.u32 s6, $0x1;
	s10 =	smul.u32 $0x6400, s5  }
0x8: {  	vm0 =	vmmov $0xffff;
	v1 =	vshrl.u32 v2, $0x3;
	s11 =	ssub.s32 s6, s8;
	s5 =	smul.u32 $0x640, s5;
	s8 =	sadd.s32 $0x400, s9  }
0x9: {  	v0 =	vand.u32 $0x7, v2;
	v2 =	vor.u32 $0x8, v2;
	v1 =	vmul.u32 $0x8, v1;
	s9 =	sadd.s32 $0x500, s9;
	s6 =	sadd.s32 s1, s10;
	s10 =	smax.u32 s11, $0x1  }
.LBB2_1:
0xa: {  	_ =	strace $0x80000048;
	s15 =	simm.s32 $0x1;
	p0 =	por $0x0, $0x0  }
0xb: {  	[tilespmem:s3], [sflag:$0x1] =	stream.linear.gather [hbm4b:s6+s3], $0x80, $0x200038;
	[tilespmem:$0x10100] =	vst v63  }
0xc: {  	s15 =	simm.s32 @p0 $0x0  }
0xd: {  	p6 =	por $0x1, $0x1;
	p4 =	sne.s32 s15, $0x0  }
0xe: {  	p0 =	por !p6, !p4  }
0xf: {  	p0 =	por !p0, !p0  }
0x10: {  	s14 =	sadd.s32 @p0 s5, s15  }
0x11: {  	s16 =	sshll.u32 @p0 s15, $0x7;
	s14 =	sshll.u32 @p0 s14, $0x7  }
0x12: {  	s0 =	simm.s32 $0x1;
	s16 =	sand.u32 @p0 $0x380, s16;
	s14 =	sand.u32 @p0 $0xFFFFFC00, s14  }
0x13: {  	_ =	strace $0x90000048;
	s17 =	sand.u32 @p0 $0x1, s0;
	s14 =	sor.u32 @p0 s16, s14  }
0x14: {  	s18 =	simm.s32 @p0 $0x0;
	_ =	strace @p0 $0x80000049;
	s14 =	sshrl.u32 @p0 s14, $0x3  }
0x15: {  	s16 =	sshll.u32 @p0 s17, $0x7;
	s17 =	sadd.s32 @p0 $0x1, s17;
	s14 =	sadd.s32 @p0 s1, s14  }
0x16: {  	[tilespmem:s16], [sflag:s17] =	stream.linear.gather @p0 [hbm4b:s14+s18], $0x80, $0x200038;
	[tilespmem:$0x10100] =	vst v63  }
0x17: {  	s17 =	sand.u32 $0x1, s3;
	_ =	strace @p0 $0x90000049  }
0x18: {  	s30 =	sadd.s32 $0x1, s17;
	_ =	strace $0x8000004A  }
0x19: {  	_ =	swait.ge [sflag:s30], $0x80  }
0x1a: {  	[sflag:s30] =	ssyncset.done $0x0  }
0x1b: {  	[sflag:s30] =	ssyncadd.s32 $0xFFFFFF80  }
0x1c: {  	s31 =	simm.s32 $0x0;
	_ =	strace $0x9000004A  }
0x1d: {  	s14 =	sand.u32 $0x80, s31;
	_ =	strace $0x8000004B  }
0x1e: {  	v3 =	vld [tilespmem:s14+$0x0];
	_ =	sdelay $0x4  }
0x1f: {  	v4 =	vshll.u32 v3, $0x3  }
0x20: {  	v3 =	vand.u32 $0x7, v3;
	v4 =	vand.u32 $0xFFFFFFC0, v4  }
0x21: {  	v3 =	vor.u32 v3, v4  }
0x22: {  	v4 =	vperm.xlane v3, v0;
	_ =	sdelay $0x1  }
0x23: {  	v4 =	vadd.s32 v1, v4;
	_ =	sdelay $0x2  }
0x24: {  	s0 =	sshll.u32 s17, $0xF  }
0x25: {  	s24 =	sor.u32 $0x100, s0  }
0x26: {  	[tilespmem:s24], [sflag:$0x5] =	stream.indirect_vreg.gather [hbm4b:s4+s3], $0x80, v4, vm0, $0x2000b8;
	[tilespmem:$0x10100] =	vst v63  }
0x27: {  	s2 =	sor.u32 $0x900, s0;
	v3 =	vperm.xlane v3, v2  }
0x28: {  	[tilespmem:s2], [sflag:$0x5] =	stream.indirect_vreg.gather [hbm4b:s7+s3], $0x80, v4, vm0, $0x2000b8;
	[tilespmem:$0x10100] =	vst v63  }
0x29: {  	s11 =	sor.u32 $0x1100, s0;
	v3 =	vadd.s32 v1, v3  }
0x2a: {  	[tilespmem:s11], [sflag:$0x5] =	stream.indirect_vreg.gather [hbm4b:s8+s3], $0x80, v4, vm0, $0x2000b8;
	[tilespmem:$0x10100] =	vst v63  }
0x2b: {  	s19 =	sor.u32 $0x1900, s0  }
0x2c: {  	[tilespmem:s19], [sflag:$0x5] =	stream.indirect_vreg.gather [hbm4b:s9+s3], $0x80, v4, vm0, $0x2000b8;
	[tilespmem:$0x10100] =	vst v63  }
0x2d: {  	s20 =	sor.u32 $0x2100, s0  }
0x2e: {  	[tilespmem:s20], [sflag:$0x5] =	stream.indirect_vreg.gather [hbm4b:s4+s3], $0x80, v3, vm0, $0x2000b8;
	[tilespmem:$0x10100] =	vst v63  }
0x2f: {  	s21 =	sor.u32 $0x2900, s0  }
0x30: {  	[tilespmem:s21], [sflag:$0x5] =	stream.indirect_vreg.gather [hbm4b:s7+s3], $0x80, v3, vm0, $0x2000b8;
	[tilespmem:$0x10100] =	vst v63  }
0x31: {  	s22 =	sor.u32 $0x3100, s0  }
0x32: {  	[tilespmem:s22], [sflag:$0x5] =	stream.indirect_vreg.gather [hbm4b:s8+s3], $0x80, v3, vm0, $0x2000b8;
	[tilespmem:$0x10100] =	vst v63  }
0x33: {  	s23 =	sor.u32 $0x3900, s0  }
0x34: {  	[tilespmem:s23], [sflag:$0x5] =	stream.indirect_vreg.gather [hbm4b:s9+s3], $0x80, v3, vm0, $0x2000b8;
	[tilespmem:$0x10100] =	vst v63  }
0x35: {  	v3 =	vld [tilespmem:s14+$0x10];
	_ =	sdelay $0x4  }
0x36: {  	v63 =	vshll.u32 v3, $0x3  }
0x37: {  	v3 =	vand.u32 $0x7, v3;
	v4 =	vand.u32 $0xFFFFFFC0, v63  }
0x38: {  	v3 =	vor.u32 v3, v4  }
0x39: {  	v4 =	vperm.xlane v3, v0;
	_ =	sdelay $0x1  }
0x3a: {  	v4 =	vadd.s32 v1, v4;
	_ =	sdelay $0x2  }
0x3b: {  	p1 =	por $0x1, $0x1;
	p2 =	por $0x1, $0x1;
	p5 =	por $0x0, $0x0  }
0x3c: {  	p3 =	por $0x0, $0x0;
	s28 =	simm.s32 $0x1;
	s19 =	sor.u32 $0x4100, s0  }
0x3d: {  	[tilespmem:s19], [sflag:$0x5] =	stream.indirect_vreg.gather [hbm4b:s4+s3], $0x80, v4, vm0, $0x2000b8;
	[tilespmem:$0x10100] =	vst v63  }
0x3e: {  	p6 =	por $0x0, $0x0;
	s18 =	simm.s32 $0x1;
	s25 =	sor.u32 $0x4900, s0;
	v3 =	vperm.xlane v3, v2  }
0x3f: {  	[tilespmem:s25], [sflag:$0x5] =	stream.indirect_vreg.gather [hbm4b:s7+s3], $0x80, v4, vm0, $0x2000b8;
	[tilespmem:$0x10100] =	vst v63  }
0x40: {  	p5 =	por p5, p4;
	s18 =	simm.s32 @!p0 $0x0;
	s26 =	sor.u32 $0x5100, s0;
	v3 =	vadd.s32 v1, v3  }
0x41: {  	[tilespmem:s26], [sflag:$0x5] =	stream.indirect_vreg.gather [hbm4b:s8+s3], $0x80, v4, vm0, $0x2000b8;
	[tilespmem:$0x10100] =	vst v63  }
0x42: {  	s28 =	simm.s32 @!p6 $0x0;
	s18 =	sadd.s32 $0x1, s18;
	s29 =	sor.u32 $0x5900, s0  }
0x43: {  	[tilespmem:s29], [sflag:$0x5] =	stream.indirect_vreg.gather [hbm4b:s9+s3], $0x80, v4, vm0, $0x2000b8;
	[tilespmem:$0x10100] =	vst v63  }
0x44: {  	s31 =	sor.u32 $0x7100, s0;
	s22 =	sor.u32 $0x6100, s0;
	s23 =	sadd.s32 $0x1, s15  }
0x45: {  	[tilespmem:s22], [sflag:$0x5] =	stream.indirect_vreg.gather [hbm4b:s4+s3], $0x80, v3, vm0, $0x2000b8;
	[tilespmem:$0x10100] =	vst v63  }
0x46: {  	s16 =	sor.u32 $0x7900, s0;
	s30 =	sor.u32 $0x6900, s0;
	p0 =	seq.s32 s23, $0x640  }
0x47: {  	[tilespmem:s30], [sflag:$0x5] =	stream.indirect_vreg.gather [hbm4b:s7+s3], $0x80, v3, vm0, $0x2000b8;
	[tilespmem:$0x10100] =	vst v63  }
0x48: {  	s20 =	sand.u32 @!p1 $0x1, s3;
	p1 =	por p1, p1;
	s23 =	simm.s32 @p0 $0x0  }
0x49: {  	[tilespmem:s31], [sflag:$0x5] =	stream.indirect_vreg.gather [hbm4b:s8+s3], $0x80, v3, vm0, $0x2000b8;
	[tilespmem:$0x10100] =	vst v63  }
0x4a: {  	s21 =	simm.s32 $0x63E;
	s14 =	simm.s32 $0x63F;
	p0 =	sne.s32 s15, s23  }
0x4b: {  	[tilespmem:s16], [sflag:$0x5] =	stream.indirect_vreg.gather [hbm4b:s9+s3], $0x80, v3, vm0, $0x2000b8;
	[tilespmem:$0x10100] =	vst v63  }
0x4c: {  	s19 =	sadd.s32 $0x0, s5;
	s16 =	simm.s32 $0x1;
	_ =	swait.ge [sflag:s12], $0x8000  }
0x4d: {  	s25 =	sshll.u32 @p5 s19, $0xC;
	s16 =	simm.s32 @!p5 $0x0;
	[sflag:s12] =	ssyncset.done $0x0  }
0x4e: {  	s19 =	sadd.s32 $0x0, s16;
	s22 =	sadd.s32 $0x0, s16;
	s16 =	simm.s32 $0x0  }
.LBB2_2:
0x4f: {  	[sflag:s12] =	ssyncadd.s32 $0xFFFF8000;
	s30 =	sand.u32 @p5 $0x1FFFF000, s25  }
0x50: {  	s26 =	smov.u32 s15;
	p6 =	por !p2, !p0;
	s15 =	sand.u32 $0x1, s19  }
0x51: {  	s16 =	sadd.s32 s28, s16;
	s31 =	sadd.s32 @p5 $0x3, s17;
	_ =	strace $0x9000004B  }
0x52: {  	s11 =	sadd.s32 @!p1 $0x3, s20;
	s28 =	sshll.u32 s15, $0xF;
	_ =	strace @p5 $0x8000004C  }
0x53: {  	s2 =	sand.u32 @!p3 $0x1, s16;
	p6 =	por !p6, !p6;
	s0 =	rddreg [dreg:$0x3]  }
0x54: {  	s20 =	smov.u32 s2;
	s2 =	simm.s32 @p5 $0x0;
	s0 =	sadd.s32 @p5 s0, s30  }
0x55: {  	[hbm4b:s0+s2] =	stream.linear.scatter @p5 [tilespmem:s24], [sflag:s31], $0x8000, $0x200038;
	[tilespmem:$0x10100] =	vst v63  }
0x56: {  	s17 =	smov.u32 s15;
	s15 =	sand.u32 @p6 $0x1, s18;
	_ =	strace @p5 $0x9000004C  }
0x57: {  	s30 =	simm.s32 $0x1;
	s0 =	sadd.s32 @p6 s5, s23;
	_ =	strace @!p1 $0x8000004D  }
0x58: {  	s2 =	sshll.u32 @p6 s23, $0x7;
	s0 =	sshll.u32 @p6 s0, $0x7;
	_ =	swait.ge @!p1 [sflag:s11], $0x8000  }
0x59: {  	s2 =	sand.u32 @p6 $0x380, s2;
	s0 =	sand.u32 @p6 $0xFFFFFC00, s0;
	[sflag:s11] =	ssyncset.done @!p1 $0x0  }
0x5a: {  	s24 =	sadd.s32 @p6 $0x1, s15;
	s0 =	sor.u32 @p6 s2, s0;
	[sflag:s11] =	ssyncadd.s32 @!p1 $0xFFFF8000  }
0x5b: {  	s2 =	sshll.u32 @p6 s15, $0x7;
	s0 =	sshrl.u32 @p6 s0, $0x3;
	_ =	strace @!p1 $0x9000004D  }
0x5c: {  	s0 =	sadd.s32 @p6 s1, s0;
	s11 =	simm.s32 @p6 $0x0;
	_ =	strace @p6 $0x80000049  }
0x5d: {  	[tilespmem:s2], [sflag:s24] =	stream.linear.gather @p6 [hbm4b:s0+s11], $0x80, $0x200038;
	[tilespmem:$0x10100] =	vst v63  }
0x5e: {  	s29 =	sand.u32 $0x1, s22;
	s30 =	simm.s32 @!p6 $0x0;
	_ =	strace @p6 $0x90000049  }
0x5f: {  	s18 =	sadd.s32 s30, s18;
	s30 =	sadd.s32 $0x1, s29;
	_ =	strace $0x8000004A  }
0x60: {  	_ =	swait.ge [sflag:s30], $0x80  }
0x61: {  	[sflag:s30] =	ssyncset.done $0x0  }
0x62: {  	[sflag:s30] =	ssyncadd.s32 $0xFFFFFF80  }
0x63: {  	s31 =	sshll.u32 s22, $0x7;
	_ =	strace $0x9000004A  }
0x64: {  	s0 =	sand.u32 $0x80, s31;
	_ =	strace $0x8000004B  }
0x65: {  	v3 =	vld [tilespmem:s0+$0x0];
	_ =	sdelay $0x4  }
0x66: {  	v4 =	vand.u32 $0x7, v3;
	v3 =	vshll.u32 v3, $0x3  }
0x67: {  	v3 =	vand.u32 $0xFFFFFFC0, v3  }
0x68: {  	v3 =	vor.u32 v4, v3  }
0x69: {  	v4 =	vperm.xlane v3, v0;
	_ =	sdelay $0x1  }
0x6a: {  	v4 =	vadd.s32 v1, v4;
	_ =	sdelay $0x3  }
0x6b: {  	s24 =	sor.u32 $0x100, s28  }
0x6c: {  	[tilespmem:s24], [sflag:$0x5] =	stream.indirect_vreg.gather [hbm4b:s4+s3], $0x80, v4, vm0, $0x2000b8;
	[tilespmem:$0x10100] =	vst v63  }
0x6d: {  	s11 =	sor.u32 $0x900, s28;
	v3 =	vperm.xlane v3, v2  }
0x6e: {  	[tilespmem:s11], [sflag:$0x5] =	stream.indirect_vreg.gather [hbm4b:s7+s3], $0x80, v4, vm0, $0x2000b8;
	[tilespmem:$0x10100] =	vst v63  }
0x6f: {  	s29 =	sor.u32 $0x1100, s28;
	v3 =	vadd.s32 v1, v3  }
0x70: {  	[tilespmem:s29], [sflag:$0x5] =	stream.indirect_vreg.gather [hbm4b:s8+s3], $0x80, v4, vm0, $0x2000b8;
	[tilespmem:$0x10100] =	vst v63  }
0x71: {  	s30 =	sor.u32 $0x1900, s28  }
0x72: {  	[tilespmem:s30], [sflag:$0x5] =	stream.indirect_vreg.gather [hbm4b:s9+s3], $0x80, v4, vm0, $0x2000b8;
	[tilespmem:$0x10100] =	vst v63  }
0x73: {  	s31 =	sor.u32 $0x2100, s28  }
0x74: {  	[tilespmem:s31], [sflag:$0x5] =	stream.indirect_vreg.gather [hbm4b:s4+s3], $0x80, v3, vm0, $0x2000b8;
	[tilespmem:$0x10100] =	vst v63  }
0x75: {  	s29 =	sor.u32 $0x2900, s28  }
0x76: {  	[tilespmem:s29], [sflag:$0x5] =	stream.indirect_vreg.gather [hbm4b:s7+s3], $0x80, v3, vm0, $0x2000b8;
	[tilespmem:$0x10100] =	vst v63  }
0x77: {  	s30 =	sor.u32 $0x3100, s28  }
0x78: {  	[tilespmem:s30], [sflag:$0x5] =	stream.indirect_vreg.gather [hbm4b:s8+s3], $0x80, v3, vm0, $0x2000b8;
	[tilespmem:$0x10100] =	vst v63  }
0x79: {  	s31 =	sor.u32 $0x3900, s28  }
0x7a: {  	[tilespmem:s31], [sflag:$0x5] =	stream.indirect_vreg.gather [hbm4b:s9+s3], $0x80, v3, vm0, $0x2000b8;
	[tilespmem:$0x10100] =	vst v63  }
0x7b: {  	v3 =	vld [tilespmem:s0+$0x10];
	_ =	sdelay $0x4  }
0x7c: {  	v63 =	vshll.u32 v3, $0x3  }
0x7d: {  	v3 =	vand.u32 $0x7, v3;
	v4 =	vand.u32 $0xFFFFFFC0, v63  }
0x7e: {  	v3 =	vor.u32 v3, v4  }
0x7f: {  	v4 =	vperm.xlane v3, v0;
	_ =	sdelay $0x1  }
0x80: {  	v4 =	vadd.s32 v1, v4;
	_ =	sdelay $0x2  }
0x81: {  	s25 =	smov.u32 s14  }
0x82: {  	s14 =	smov.u32 s21;
	s21 =	sadd.s32 $0xFFFFFFFF, s21;
	s11 =	sor.u32 $0x4100, s28  }
0x83: {  	[tilespmem:s11], [sflag:$0x5] =	stream.indirect_vreg.gather [hbm4b:s4+s3], $0x80, v4, vm0, $0x2000b8;
	[tilespmem:$0x10100] =	vst v63  }
0x84: {  	p2 =	sne.s32 s14, $0x1;
	p5 =	seq.s32 s25, $0x1;
	s29 =	sor.u32 $0x4900, s28;
	v3 =	vperm.xlane v3, v2  }
0x85: {  	[tilespmem:s29], [sflag:$0x5] =	stream.indirect_vreg.gather [hbm4b:s7+s3], $0x80, v4, vm0, $0x2000b8;
	[tilespmem:$0x10100] =	vst v63  }
0x86: {  	p4 =	sne.s32 s21, $0x0;
	p5 =	por p5, p0;
	s30 =	sor.u32 $0x5100, s28;
	v3 =	vadd.s32 v1, v3  }
0x87: {  	[tilespmem:s30], [sflag:$0x5] =	stream.indirect_vreg.gather [hbm4b:s8+s3], $0x80, v4, vm0, $0x2000b8;
	[tilespmem:$0x10100] =	vst v63  }
0x88: {  	s15 =	smov.u32 s23;
	s23 =	sadd.s32 $0x1, s23;
	s31 =	sor.u32 $0x5900, s28  }
0x89: {  	[tilespmem:s31], [sflag:$0x5] =	stream.indirect_vreg.gather [hbm4b:s9+s3], $0x80, v4, vm0, $0x2000b8;
	[tilespmem:$0x10100] =	vst v63  }
0x8a: {  	p1 =	por p3, p3;
	p3 =	seq.s32 s14, $0x640;
	s11 =	sor.u32 $0x6100, s28  }
0x8b: {  	[tilespmem:s11], [sflag:$0x5] =	stream.indirect_vreg.gather [hbm4b:s4+s3], $0x80, v3, vm0, $0x2000b8;
	[tilespmem:$0x10100] =	vst v63  }
0x8c: {  	s2 =	sadd.s32 s5, s26;
	p6 =	seq.s32 s23, $0x640;
	s29 =	sor.u32 $0x6900, s28  }
0x8d: {  	[tilespmem:s29], [sflag:$0x5] =	stream.indirect_vreg.gather [hbm4b:s7+s3], $0x80, v3, vm0, $0x2000b8;
	[tilespmem:$0x10100] =	vst v63  }
0x8e: {  	s23 =	simm.s32 @p6 $0x0;
	p6 =	sne.s32 s25, $0x640;
	s30 =	sor.u32 $0x7100, s28  }
0x8f: {  	[tilespmem:s30], [sflag:$0x5] =	stream.indirect_vreg.gather [hbm4b:s8+s3], $0x80, v3, vm0, $0x2000b8;
	[tilespmem:$0x10100] =	vst v63  }
.Ltmp0:
0x90: {  	s25 =	sshll.u32 @p5 s2, $0xC;
	s0 =	simm.s32 $0x1;
	(pc) =	sbr.rel @p4 .LBB2_2-.Ltmp0, $4  }
0x91: {  	p0 =	sne.s32 s15, s23;
	s0 =	simm.s32 @!p5 $0x0;
	s31 =	sor.u32 $0x7900, s28  }
0x92: {  	[tilespmem:s31], [sflag:$0x5] =	stream.indirect_vreg.gather [hbm4b:s9+s3], $0x80, v3, vm0, $0x2000b8;
	[tilespmem:$0x10100] =	vst v63  }
0x93: {  	s19 =	sadd.s32 s0, s19;
	s28 =	simm.s32 $0x1;
	_ =	swait.ge [sflag:s12], $0x8000  }
0x94: {  	s22 =	sadd.s32 s0, s22;
	s28 =	simm.s32 @!p6 $0x0;
	[sflag:s12] =	ssyncset.done $0x0  }
0x95: {  	[sflag:s12] =	ssyncadd.s32 $0xFFFF8000  }
0x96: {  	_ =	strace $0x9000004B  }
0x97: {  	s2 =	sand.u32 @p5 $0x1FFFF000, s25;
	_ =	strace @p5 $0x8000004C  }
0x98: {  	p2 =	por !p2, !p0;
	s11 =	sadd.s32 @p5 $0x3, s17;
	s0 =	rddreg [dreg:$0x3]  }
0x99: {  	p2 =	por !p2, !p2;
	s0 =	sadd.s32 @p5 s0, s2;
	s2 =	simm.s32 @p5 $0x0  }
0x9a: {  	[hbm4b:s0+s2] =	stream.linear.scatter @p5 [tilespmem:s24], [sflag:s11], $0x8000, $0x200038;
	[tilespmem:$0x10100] =	vst v63  }
0x9b: {  	s17 =	sand.u32 @p2 $0x1, s18;
	_ =	strace @p5 $0x9000004C  }
0x9c: {  	s0 =	sadd.s32 @!p1 $0x3, s20;
	s2 =	sadd.s32 @p2 s5, s23;
	_ =	strace @!p1 $0x8000004D  }
0x9d: {  	s11 =	sshll.u32 @p2 s23, $0x7;
	s2 =	sshll.u32 @p2 s2, $0x7;
	_ =	swait.ge @!p1 [sflag:s0], $0x8000  }
0x9e: {  	s11 =	sand.u32 @p2 $0x380, s11;
	s2 =	sand.u32 @p2 $0xFFFFFC00, s2;
	[sflag:s0] =	ssyncset.done @!p1 $0x0  }
0x9f: {  	s2 =	sor.u32 @p2 s11, s2;
	s11 =	sshll.u32 @p2 s17, $0x7;
	[sflag:s0] =	ssyncadd.s32 @!p1 $0xFFFF8000  }
0xa0: {  	s2 =	sshrl.u32 @p2 s2, $0x3;
	s0 =	sadd.s32 @p2 $0x1, s17;
	_ =	strace @!p1 $0x9000004D  }
0xa1: {  	s2 =	sadd.s32 @p2 s1, s2;
	s17 =	simm.s32 @p2 $0x0;
	_ =	strace @p2 $0x80000049  }
0xa2: {  	[tilespmem:s11], [sflag:s0] =	stream.linear.gather @p2 [hbm4b:s2+s17], $0x80, $0x200038;
	[tilespmem:$0x10100] =	vst v63  }
0xa3: {  	s23 =	sand.u32 $0x1, s22;
	_ =	strace @p2 $0x90000049  }
0xa4: {  	s0 =	sadd.s32 $0x1, s23;
	_ =	strace $0x8000004A  }
0xa5: {  	_ =	swait.ge [sflag:s0], $0x80  }
0xa6: {  	[sflag:s0] =	ssyncset.done $0x0  }
0xa7: {  	[sflag:s0] =	ssyncadd.s32 $0xFFFFFF80  }
0xa8: {  	s24 =	sshll.u32 s22, $0x7;
	_ =	strace $0x9000004A  }
0xa9: {  	s0 =	sand.u32 $0x80, s24;
	_ =	strace $0x8000004B  }
0xaa: {  	v3 =	vld [tilespmem:s0+$0x0];
	_ =	sdelay $0x4  }
0xab: {  	v4 =	vshll.u32 v3, $0x3  }
0xac: {  	v3 =	vand.u32 $0x7, v3;
	v4 =	vand.u32 $0xFFFFFFC0, v4  }
0xad: {  	v3 =	vor.u32 v3, v4  }
0xae: {  	v4 =	vperm.xlane v3, v0;
	_ =	sdelay $0x1  }
0xaf: {  	v4 =	vadd.s32 v1, v4;
	_ =	sdelay $0x1  }
0xb0: {  	s2 =	sand.u32 $0x1, s19  }
0xb1: {  	s11 =	sshll.u32 s2, $0xF  }
0xb2: {  	s17 =	sor.u32 $0x100, s11  }
0xb3: {  	[tilespmem:s17], [sflag:$0x5] =	stream.indirect_vreg.gather [hbm4b:s4+s3], $0x80, v4, vm0, $0x2000b8;
	[tilespmem:$0x10100] =	vst v63  }
0xb4: {  	s25 =	sor.u32 $0x900, s11;
	v3 =	vperm.xlane v3, v2  }
0xb5: {  	[tilespmem:s25], [sflag:$0x5] =	stream.indirect_vreg.gather [hbm4b:s7+s3], $0x80, v4, vm0, $0x2000b8;
	[tilespmem:$0x10100] =	vst v63  }
0xb6: {  	s26 =	sor.u32 $0x1100, s11;
	v3 =	vadd.s32 v1, v3  }
0xb7: {  	[tilespmem:s26], [sflag:$0x5] =	stream.indirect_vreg.gather [hbm4b:s8+s3], $0x80, v4, vm0, $0x2000b8;
	[tilespmem:$0x10100] =	vst v63  }
0xb8: {  	s29 =	sor.u32 $0x1900, s11  }
0xb9: {  	[tilespmem:s29], [sflag:$0x5] =	stream.indirect_vreg.gather [hbm4b:s9+s3], $0x80, v4, vm0, $0x2000b8;
	[tilespmem:$0x10100] =	vst v63  }
0xba: {  	s30 =	sor.u32 $0x2100, s11  }
0xbb: {  	[tilespmem:s30], [sflag:$0x5] =	stream.indirect_vreg.gather [hbm4b:s4+s3], $0x80, v3, vm0, $0x2000b8;
	[tilespmem:$0x10100] =	vst v63  }
0xbc: {  	s31 =	sor.u32 $0x2900, s11  }
0xbd: {  	[tilespmem:s31], [sflag:$0x5] =	stream.indirect_vreg.gather [hbm4b:s7+s3], $0x80, v3, vm0, $0x2000b8;
	[tilespmem:$0x10100] =	vst v63  }
0xbe: {  	s19 =	sor.u32 $0x3100, s11  }
0xbf: {  	[tilespmem:s19], [sflag:$0x5] =	stream.indirect_vreg.gather [hbm4b:s8+s3], $0x80, v3, vm0, $0x2000b8;
	[tilespmem:$0x10100] =	vst v63  }
0xc0: {  	s20 =	sor.u32 $0x3900, s11  }
0xc1: {  	[tilespmem:s20], [sflag:$0x5] =	stream.indirect_vreg.gather [hbm4b:s9+s3], $0x80, v3, vm0, $0x2000b8;
	[tilespmem:$0x10100] =	vst v63  }
0xc2: {  	v3 =	vld [tilespmem:s0+$0x10];
	_ =	sdelay $0x4  }
0xc3: {  	v63 =	vshll.u32 v3, $0x3  }
0xc4: {  	v3 =	vand.u32 $0x7, v3;
	v4 =	vand.u32 $0xFFFFFFC0, v63  }
0xc5: {  	v3 =	vor.u32 v3, v4  }
0xc6: {  	v4 =	vperm.xlane v3, v0;
	_ =	sdelay $0x1  }
0xc7: {  	v4 =	vadd.s32 v1, v4;
	_ =	sdelay $0x3  }
0xc8: {  	s21 =	sor.u32 $0x4100, s11  }
0xc9: {  	[tilespmem:s21], [sflag:$0x5] =	stream.indirect_vreg.gather [hbm4b:s4+s3], $0x80, v4, vm0, $0x2000b8;
	[tilespmem:$0x10100] =	vst v63  }
0xca: {  	s22 =	sor.u32 $0x4900, s11;
	v3 =	vperm.xlane v3, v2  }
0xcb: {  	[tilespmem:s22], [sflag:$0x5] =	stream.indirect_vreg.gather [hbm4b:s7+s3], $0x80, v4, vm0, $0x2000b8;
	[tilespmem:$0x10100] =	vst v63  }
0xcc: {  	s23 =	sor.u32 $0x5100, s11;
	v3 =	vadd.s32 v1, v3  }
0xcd: {  	[tilespmem:s23], [sflag:$0x5] =	stream.indirect_vreg.gather [hbm4b:s8+s3], $0x80, v4, vm0, $0x2000b8;
	[tilespmem:$0x10100] =	vst v63  }
0xce: {  	s24 =	sor.u32 $0x5900, s11  }
0xcf: {  	[tilespmem:s24], [sflag:$0x5] =	stream.indirect_vreg.gather [hbm4b:s9+s3], $0x80, v4, vm0, $0x2000b8;
	[tilespmem:$0x10100] =	vst v63  }
0xd0: {  	s25 =	sor.u32 $0x6100, s11  }
0xd1: {  	[tilespmem:s25], [sflag:$0x5] =	stream.indirect_vreg.gather [hbm4b:s4+s3], $0x80, v3, vm0, $0x2000b8;
	[tilespmem:$0x10100] =	vst v63  }
0xd2: {  	s26 =	sor.u32 $0x6900, s11  }
0xd3: {  	[tilespmem:s26], [sflag:$0x5] =	stream.indirect_vreg.gather [hbm4b:s7+s3], $0x80, v3, vm0, $0x2000b8;
	[tilespmem:$0x10100] =	vst v63  }
0xd4: {  	s29 =	sor.u32 $0x7100, s11  }
0xd5: {  	[tilespmem:s29], [sflag:$0x5] =	stream.indirect_vreg.gather [hbm4b:s8+s3], $0x80, v3, vm0, $0x2000b8;
	[tilespmem:$0x10100] =	vst v63  }
0xd6: {  	s30 =	sor.u32 $0x7900, s11  }
0xd7: {  	[tilespmem:s30], [sflag:$0x5] =	stream.indirect_vreg.gather [hbm4b:s9+s3], $0x80, v3, vm0, $0x2000b8;
	[tilespmem:$0x10100] =	vst v63  }
0xd8: {  	_ =	swait.ge [sflag:s12], $0x8000  }
0xd9: {  	[sflag:s12] =	ssyncset.done $0x0  }
0xda: {  	p6 =	seq.s32 s14, $0x1;
	[sflag:s12] =	ssyncadd.s32 $0xFFFF8000  }
0xdb: {  	p0 =	por p6, p0;
	s0 =	sadd.s32 s5, s15;
	_ =	strace $0x9000004B  }
0xdc: {  	s0 =	sshll.u32 @p0 s0, $0xC;
	_ =	strace @p0 $0x8000004C  }
0xdd: {  	s2 =	sadd.s32 @p0 $0x3, s2;
	s0 =	sand.u32 @p0 $0x1FFFF000, s0;
	s11 =	rddreg [dreg:$0x3]  }
0xde: {  	s15 =	sadd.s32 s28, s16;
	s0 =	sadd.s32 @p0 s11, s0;
	s11 =	simm.s32 @p0 $0x0  }
0xdf: {  	[hbm4b:s0+s11] =	stream.linear.scatter @p0 [tilespmem:s17], [sflag:s2], $0x8000, $0x200038;
	[tilespmem:$0x10100] =	vst v63  }
0xe0: {  	p1 =	por p3, p3;
	s0 =	sand.u32 @!p3 $0x1, s15;
	_ =	strace @p0 $0x9000004C  }
0xe1: {  	s0 =	sadd.s32 @!p1 $0x3, s0;
	_ =	strace @!p1 $0x8000004D  }
0xe2: {  	s2 =	simm.s32 $0x1;
	p0 =	sne.s32 s14, $0x640;
	_ =	swait.ge @!p1 [sflag:s0], $0x8000  }
0xe3: {  	s2 =	simm.s32 @!p0 $0x0;
	[sflag:s0] =	ssyncset.done @!p1 $0x0  }
0xe4: {  	s13 =	sadd.s32 $0x1, s13;
	s2 =	sadd.s32 s2, s15;
	[sflag:s0] =	ssyncadd.s32 @!p1 $0xFFFF8000  }
0xe5: {  	p0 =	sne.s32 s13, s10;
	s31 =	sand.u32 $0x1, s2;
	_ =	strace @!p1 $0x9000004D  }
.Ltmp1:
0xe6: {  	s0 =	sadd.s32 $0x3, s31;
	_ =	strace $0x8000004E;
	(pc) =	sbr.rel @p0 .LBB2_1-.Ltmp1, $4  }
0xe7: {  	_ =	swait.ge [sflag:s0], $0x8000  }
0xe8: {  	[sflag:s0] =	ssyncset.done $0x0  }
0xe9: {  	[sflag:s0] =	ssyncadd.s32 $0xFFFF8000  }
0xea: {  	_ =	strace $0x9000004E  }
0xeb: {  	_ =	sfence.sel $0x180000  }
0xec: {  	[bflag:$0x0] =	sbarrier.arrive $0xFFFF  }
0xed: {  	_ =	strace $0x90000047  }
0xee: {  	s0 =	stileid.u32;
	[bflag:$0x2] =	sbarrier.arrive $0xFFFF  }
0xef: {  	p0 =	sne.s32 s0, $0x0;
	s0 =	rddreg [dreg:$0x2]  }
0xf0: {  	s0 =	sadd.s32 @!p0 $0x100000, s0  }
0xf1: {  	[sflag:s0] =	ssyncadd.tile.s32 @!p0 $0x1;
	_ =	shalt  }
.Lfunc_end2:
_tile_overlayer_lowered:
.L_overlay_start_2:
0xf2: {  	(tag) =	ssettag $0x2  }
0xf3: {  	s0 =	rddreg [dreg:$0x0];
	s2 =	stileid.u32  }
0xf4: {  	s1 =	rddreg [dreg:$0x1];
	p0 =	sne.s32 s2, $0x0  }
0xf5: {  	s3 =	rddreg [dreg:$0x2];
	[bflag:$0x3] =	sbarrier.arrive $0xFFFF;
	s2 =	simm.s32 @!p0 $0x1C01  }
0xf6: {  	[timem:s3], [sflag:s2] =	dma.local @!p0 [hbm:s0], s1  }
0xf7: {  	s0 =	simm.s32 @!p0 $0x1  }
0xf8: {  	_ =	swait.ge @!p0 [sflag:s0], s1  }
0xf9: {  	s1 =	ssub.s32 @!p0 $0x0, s1;
	[sflag:s0] =	ssyncset.done @!p0 $0x0  }
0xfa: {  	[sflag:s0] =	ssyncadd.s32 @!p0 s1  }
0xfb: {  	[bflag:$0x3] =	sbarrier.arrive $0xFFFF  }
0xfc: {  	_ =	shalt  }

</sc_bundles>
